<compile_context>
chip_gen: v7x
topology: tpu7x:2x2x1
jax: 0.10.2.dev20260603
libtpu: 0.0.44.dev20260713+nightly
codegen_flags: <defaults>
</compile_context>

<pallas_src>
import jax
import jax.numpy as jnp
from jax import lax
from jax.experimental import pallas as pl
from jax.experimental.pallas import tpu as pltpu
from jax.experimental.pallas import tpu_sc as plsc

_E = 16
_LANES = 16
_R = 1024



def _logits_body(x_ref, rc_ref, gw_ref, cw_ref, lt_ref, ctx_scr):
    b = pl.program_id(0)
    j = pl.program_id(1)

    @pl.when(jnp.logical_and(b == 0, j == 0))
    def _init():
        ctx_scr[...] = jax.lax.dot_general(
            rc_ref[...], cw_ref[...], (((1,), (1,)), ((), ())),
            preferred_element_type=jnp.float32)

    routing = x_ref[0] + ctx_scr[pl.ds(b, 1), :]
    logits = jax.lax.dot_general(
        routing, gw_ref[...], (((1,), (1,)), ((), ())),
        preferred_element_type=jnp.float32)
    lt_ref[...] = logits.T


def _tc_logits(x, routing_context, gate_w, ctx_w):
    b, n, c = x.shape
    e = gate_w.shape[0]
    t = b * n
    n_j = n // _R
    return pl.pallas_call(
        _logits_body,
        grid=(b, n_j),
        in_specs=[
            pl.BlockSpec((1, _R, c), lambda bi, ji: (bi, ji, 0)),
            pl.BlockSpec((b, c), lambda bi, ji: (0, 0)),
            pl.BlockSpec((e, c), lambda bi, ji: (0, 0)),
            pl.BlockSpec((c, c), lambda bi, ji: (0, 0)),
        ],
        out_specs=pl.BlockSpec((e, _R), lambda bi, ji: (0, bi * n_j + ji)),
        out_shape=jax.ShapeDtypeStruct((e, t), jnp.float32),
        scratch_shapes=[pltpu.VMEM((b, c), jnp.float32)],
    )(x, routing_context, gate_w, ctx_w)



def _sc_router(lt, t):
    tok_per_w = t // 32

    def body(lt_hbm, idx_out, w_out, part_out,
             lv, i1buf, i2buf, w1buf, w2buf, partbuf):
        wid = lax.axis_index("s") * 2 + lax.axis_index("c")
        base = wid * tok_per_w
        pltpu.sync_copy(lt_hbm.at[:, pl.ds(base, tok_per_w)], lv)

        lanes = lax.iota(jnp.int32, _LANES)
        zerosf = jnp.zeros((_LANES,), jnp.float32)
        zerosi = jnp.zeros((_LANES,), jnp.int32)
        onesi = jnp.ones((_LANES,), jnp.int32)

        n_groups = tok_per_w // _LANES
        init_carry = (tuple(zerosf for _ in range(_E)),
                      tuple(zerosi for _ in range(4)))

        @plsc.parallel_loop(0, n_groups, carry=init_carry)
        def group(g, carry):
            sl = pl.ds(g * _LANES, _LANES)
            vs = [lv[e, sl] for e in range(_E)]
            m1 = vs[0]
            i1 = jnp.zeros((_LANES,), jnp.int32)
            m2 = jnp.full((_LANES,), -3.0e38, jnp.float32)
            i2 = jnp.zeros((_LANES,), jnp.int32)
            for e in range(1, _E):
                v = vs[e]
                ev = jnp.full((_LANES,), e, jnp.int32)
                c1 = v > m1
                c2 = v > m2
                i2 = jnp.where(c1, i1, jnp.where(c2, ev, i2))
                m2 = jnp.where(c1, m1, jnp.where(c2, v, m2))
                i1 = jnp.where(c1, ev, i1)
                m1 = jnp.where(c1, v, m1)
            tw = jnp.exp(m2 - m1)
            rw = 1.0 / (1.0 + tw)
            i1buf[sl] = i1
            i2buf[sl] = i2
            w1buf[sl] = rw
            w2buf[sl] = tw * rw
            ps = [jnp.exp(v - m1) for v in vs]
            s = ps[0]
            for e in range(1, _E):
                s = s + ps[e]
            rs = 1.0 / s
            imps, loads = carry
            imps = tuple(imps[e] + ps[e] * rs for e in range(_E))
            b1 = onesi << ((i1 & 3) << 3)
            q1 = i1 >> 2
            b2 = onesi << ((i2 & 3) << 3)
            q2 = i2 >> 2
            new_loads = []
            for k in range(4):
                kv = jnp.full((_LANES,), k, jnp.int32)
                contrib = (jnp.where(q1 == kv, b1, zerosi) +
                           jnp.where(q2 == kv, b2, zerosi))
                new_loads.append(loads[k] + contrib)
            return (imps, tuple(new_loads))

        imp_fin, load_fin = group

        imp_vec = zerosf
        load_vec = zerosf
        m255 = jnp.full((_LANES,), 255, jnp.int32)
        for e in range(_E):
            se = jnp.sum(imp_fin[e])
            imp_vec = jnp.where(lanes == e,
                                jnp.full((_LANES,), se, jnp.float32), imp_vec)
            cnts = ((load_fin[e // 4] >> (8 * (e % 4))) & m255)
            le = jnp.sum(cnts.astype(jnp.float32))
            load_vec = jnp.where(lanes == e,
                                 jnp.full((_LANES,), le, jnp.float32), load_vec)
        partbuf[0, :] = imp_vec
        partbuf[1, :] = load_vec

        pltpu.sync_copy(i1buf, idx_out.at[0, pl.ds(base, tok_per_w)])
        pltpu.sync_copy(i2buf, idx_out.at[1, pl.ds(base, tok_per_w)])
        pltpu.sync_copy(w1buf, w_out.at[0, pl.ds(base, tok_per_w)])
        pltpu.sync_copy(w2buf, w_out.at[1, pl.ds(base, tok_per_w)])
        pltpu.sync_copy(partbuf, part_out.at[wid])

    mesh = plsc.VectorSubcoreMesh(core_axis_name="c", subcore_axis_name="s")
    run = pl.kernel(
        body,
        compiler_params=pltpu.CompilerParams(needs_layout_passes=False),
        out_type=[
            jax.ShapeDtypeStruct((2, t), jnp.int32),
            jax.ShapeDtypeStruct((2, t), jnp.float32),
            jax.ShapeDtypeStruct((32, 2, _E), jnp.float32),
        ],
        mesh=mesh,
        scratch_types=[
            pltpu.VMEM((_E, tok_per_w), jnp.float32),
            pltpu.VMEM((tok_per_w,), jnp.int32),
            pltpu.VMEM((tok_per_w,), jnp.int32),
            pltpu.VMEM((tok_per_w,), jnp.float32),
            pltpu.VMEM((tok_per_w,), jnp.float32),
            pltpu.VMEM((2, _LANES), jnp.float32),
        ],
    )
    return run(lt)



def kernel(x, routing_context, gate_w, ctx_w):
    b, n, _ = x.shape
    e = gate_w.shape[0]
    t = b * n
    lt = _tc_logits(x, routing_context, gate_w, ctx_w)
    idx2, w2, parts = _sc_router(lt, t)
    top_idx = idx2.T
    top_w = w2.T
    imp = parts[:, 0, :].sum(axis=0) / float(t)
    load = parts[:, 1, :].sum(axis=0) / float(t)
    aux = float(e) * jnp.sum(imp * load)
    return (top_idx, top_w, aux)

# --- scband reference (transcript-rebuilt; emitter-appended) ---
"""Pipeline reference for scband-mo-erouter-88330297410165 (READ-ONLY COPY).

The authoritative reference and input builder live on the scoring server;
editing this copy changes nothing except your own understanding.
"""

import jax, jax.numpy as jnp
import numpy as np

B, N, C = 4, 4096, 2048
E, K = 16, 2

def setup_inputs(seed: int = 0) -> dict:
    key = jax.random.key(seed)
    k1, k2, k3, k4 = jax.random.split(key, 4)
    x = jax.random.normal(k1, (B, N, C), dtype=jnp.float32)
    routing_context = jax.random.normal(k2, (B, C), dtype=jnp.float32)
    gate_w = jax.random.normal(k3, (E, C), dtype=jnp.float32) * 0.02
    ctx_w = jax.random.normal(k4, (C, C), dtype=jnp.float32) * 0.02
    return {"x": x, "routing_context": routing_context, "gate_w": gate_w, "ctx_w": ctx_w}

def reference(x, routing_context, gate_w, ctx_w):
    b, n, c = x.shape
    T = b * n
    e = gate_w.shape[0]
    x_flat = x.reshape(T, c)
    # context_proj(routing_context) then broadcast over sequence
    ctx = routing_context @ ctx_w.T  # (B, C)
    ctx = jnp.broadcast_to(ctx[:, None, :], (b, n, c)).reshape(T, c)
    x_routing = x_flat + ctx
    logits = x_routing @ gate_w.T  # (T, E)
    top_vals, top_idx = jax.lax.top_k(logits, K)
    top_weights = jax.nn.softmax(top_vals, axis=-1)
    probs = jax.nn.softmax(logits, axis=-1)
    importance = probs.sum(axis=0) / float(T)
    assign = jnp.zeros((T, e), dtype=probs.dtype).at[jnp.arange(T)[:, None], top_idx].set(1.0)
    load = assign.sum(axis=0) / float(T)
    aux_loss = e * (importance * load).sum()
    return (top_idx, top_weights, aux_loss)

if __name__ == "__main__":
    import jax
    _d = setup_inputs()
    print(jax.jit(kernel)(*tuple(_d.values())))

</pallas_src>

<mosaic_0001>
#map = affine_map<(d0, d1) -> (0, 0)>
#map1 = affine_map<(d0, d1) -> (0, 0, 0)>
module attributes {stable_mosaic.version = 14 : i64} {
  func.func @body(%arg0: i32, %arg1: i32, %arg2: memref<16x16384xf32, #tpu.memory_space<hbm>>, %arg3: memref<2x16384xi32, #tpu.memory_space<hbm>>, %arg4: memref<2x16384xf32, #tpu.memory_space<hbm>>, %arg5: memref<32x2x16xf32, #tpu.memory_space<hbm>>, %arg6: memref<16x512xf32, #tpu.memory_space<vmem>>, %arg7: memref<512xi32, #tpu.memory_space<vmem>>, %arg8: memref<512xi32, #tpu.memory_space<vmem>>, %arg9: memref<512xf32, #tpu.memory_space<vmem>>, %arg10: memref<512xf32, #tpu.memory_space<vmem>>, %arg11: memref<2x16xf32, #tpu.memory_space<vmem>>) attributes {dimension_semantics = [#tpu.dimension_semantics<core_parallel>, #tpu.dimension_semantics<subcore_parallel>], iteration_bounds = array<i64: 2, 16>, scalar_prefetch = 0 : i64, scratch_operands = 6 : i64, tpu.core_type = #tpu.core_type<sc_vector_subcore>, window_params = [{transform_indices = #map}, {transform_indices = #map}, {transform_indices = #map}, {transform_indices = #map1}]} {
    %mul3A = arith.constant 2 : i32
    %mul3A_0 = arith.muli %arg1, %mul3A : i32
    %add3A = arith.addi %mul3A_0, %arg0 : i32
    %mul3A_1 = arith.constant 512 : i32
    %mul3A_2 = arith.muli %add3A, %mul3A_1 : i32
    "tpu.region"() ({
      %run_scoped3A_385 = tpu.sem_alloc : memref<!tpu.dma_semaphore, #tpu.memory_space<semaphore_mem>>
      %dma_start3A = arith.constant 0 : i32
      %dma_start3A_386 = tpu.memref_slice %arg2[%dma_start3A, %mul3A_2] : memref<16x16384xf32, #tpu.memory_space<hbm>> -> memref<16x512xf32, #tpu.memory_space<hbm>>
      %dma_start3A_387 = arith.constant 0 : i32
      %dma_start3A_388 = tpu.memref_slice %arg2[%dma_start3A_387, %mul3A_2] : memref<16x16384xf32, #tpu.memory_space<hbm>> -> memref<16x512xf32, #tpu.memory_space<hbm>>
      tpu.enqueue_dma source(%dma_start3A_388 : memref<16x512xf32, #tpu.memory_space<hbm>>) target(%arg6 : memref<16x512xf32, #tpu.memory_space<vmem>>) target_semaphore(%run_scoped3A_385 : memref<!tpu.dma_semaphore, #tpu.memory_space<semaphore_mem>>)
      %dma_wait3A = arith.constant 0 : i32
      %dma_wait3A_389 = tpu.memref_slice %arg2[%dma_wait3A, %mul3A_2] : memref<16x16384xf32, #tpu.memory_space<hbm>> -> memref<16x512xf32, #tpu.memory_space<hbm>>
      %dma_wait3A_390 = arith.constant 0 : i32
      %dma_wait3A_391 = tpu.memref_slice %arg2[%dma_wait3A_390, %mul3A_2] : memref<16x16384xf32, #tpu.memory_space<hbm>> -> memref<16x512xf32, #tpu.memory_space<hbm>>
      tpu.wait_dma2 semaphore(%run_scoped3A_385 : memref<!tpu.dma_semaphore, #tpu.memory_space<semaphore_mem>>) src(%dma_wait3A_391 : memref<16x512xf32, #tpu.memory_space<hbm>>) dst(%arg6 : memref<16x512xf32, #tpu.memory_space<vmem>>)
      tpu.yield
    }) : () -> ()
    %iota3A = tpu.iota {dimensions = array<i32: 0>} : vector<16xi32>
    %broadcast_in_dim3A = arith.constant 0.000000e+00 : f32
    %broadcast_in_dim3A_3 = vector.broadcast %broadcast_in_dim3A : f32 to vector<16xf32>
    %broadcast_in_dim3A_4 = arith.constant 0 : i32
    %broadcast_in_dim3A_5 = vector.broadcast %broadcast_in_dim3A_4 : i32 to vector<16xi32>
    %broadcast_in_dim3A_6 = arith.constant 1 : i32
    %broadcast_in_dim3A_7 = vector.broadcast %broadcast_in_dim3A_6 : i32 to vector<16xi32>
    %parallel_loop3A = arith.constant 0 : i32
    %parallel_loop3A_8 = arith.constant 32 : i32
    %parallel_loop3A_9 = arith.constant 1 : i32
    %parallel_loop3A_10:20 = scf.for %parallel_loop3A_385 = %parallel_loop3A to %parallel_loop3A_8 step %parallel_loop3A_9 iter_args(%parallel_loop3A_386 = %broadcast_in_dim3A_3, %parallel_loop3A_387 = %broadcast_in_dim3A_3, %parallel_loop3A_388 = %broadcast_in_dim3A_3, %parallel_loop3A_389 = %broadcast_in_dim3A_3, %parallel_loop3A_390 = %broadcast_in_dim3A_3, %parallel_loop3A_391 = %broadcast_in_dim3A_3, %parallel_loop3A_392 = %broadcast_in_dim3A_3, %parallel_loop3A_393 = %broadcast_in_dim3A_3, %parallel_loop3A_394 = %broadcast_in_dim3A_3, %parallel_loop3A_395 = %broadcast_in_dim3A_3, %parallel_loop3A_396 = %broadcast_in_dim3A_3, %parallel_loop3A_397 = %broadcast_in_dim3A_3, %parallel_loop3A_398 = %broadcast_in_dim3A_3, %parallel_loop3A_399 = %broadcast_in_dim3A_3, %parallel_loop3A_400 = %broadcast_in_dim3A_3, %parallel_loop3A_401 = %broadcast_in_dim3A_3, %parallel_loop3A_402 = %broadcast_in_dim3A_5, %parallel_loop3A_403 = %broadcast_in_dim3A_5, %parallel_loop3A_404 = %broadcast_in_dim3A_5, %parallel_loop3A_405 = %broadcast_in_dim3A_5) -> (vector<16xf32>, vector<16xf32>, vector<16xf32>, vector<16xf32>, vector<16xf32>, vector<16xf32>, vector<16xf32>, vector<16xf32>, vector<16xf32>, vector<16xf32>, vector<16xf32>, vector<16xf32>, vector<16xf32>, vector<16xf32>, vector<16xf32>, vector<16xf32>, vector<16xi32>, vector<16xi32>, vector<16xi32>, vector<16xi32>)  : i32 {
      %parallel_loop3A_406 = arith.constant 16 : i32
      %parallel_loop3A_407 = arith.muli %parallel_loop3A_385, %parallel_loop3A_406 : i32
      %parallel_loop3A_408 = arith.constant 0 : i32
      %parallel_loop3A_409 = arith.index_cast %parallel_loop3A_408 : i32 to index
      %parallel_loop3A_410 = arith.index_cast %parallel_loop3A_407 : i32 to index
      %parallel_loop3A_411 = tpu.vector_load %arg6[%parallel_loop3A_409, %parallel_loop3A_410] {strides = array<i32>} : memref<16x512xf32, #tpu.memory_space<vmem>>, vector<16xf32>,
      %parallel_loop3A_412 = arith.constant 1 : i32
      %parallel_loop3A_413 = arith.index_cast %parallel_loop3A_412 : i32 to index
      %parallel_loop3A_414 = arith.index_cast %parallel_loop3A_407 : i32 to index
      %parallel_loop3A_415 = tpu.vector_load %arg6[%parallel_loop3A_413, %parallel_loop3A_414] {strides = array<i32>} : memref<16x512xf32, #tpu.memory_space<vmem>>, vector<16xf32>,
      %parallel_loop3A_416 = arith.constant 2 : i32
      %parallel_loop3A_417 = arith.index_cast %parallel_loop3A_416 : i32 to index
      %parallel_loop3A_418 = arith.index_cast %parallel_loop3A_407 : i32 to index
      %parallel_loop3A_419 = tpu.vector_load %arg6[%parallel_loop3A_417, %parallel_loop3A_418] {strides = array<i32>} : memref<16x512xf32, #tpu.memory_space<vmem>>, vector<16xf32>,
      %parallel_loop3A_420 = arith.constant 3 : i32
      %parallel_loop3A_421 = arith.index_cast %parallel_loop3A_420 : i32 to index
      %parallel_loop3A_422 = arith.index_cast %parallel_loop3A_407 : i32 to index
      %parallel_loop3A_423 = tpu.vector_load %arg6[%parallel_loop3A_421, %parallel_loop3A_422] {strides = array<i32>} : memref<16x512xf32, #tpu.memory_space<vmem>>, vector<16xf32>,
      %parallel_loop3A_424 = arith.constant 4 : i32
      %parallel_loop3A_425 = arith.index_cast %parallel_loop3A_424 : i32 to index
      %parallel_loop3A_426 = arith.index_cast %parallel_loop3A_407 : i32 to index
      %parallel_loop3A_427 = tpu.vector_load %arg6[%parallel_loop3A_425, %parallel_loop3A_426] {strides = array<i32>} : memref<16x512xf32, #tpu.memory_space<vmem>>, vector<16xf32>,
      %parallel_loop3A_428 = arith.constant 5 : i32
      %parallel_loop3A_429 = arith.index_cast %parallel_loop3A_428 : i32 to index
      %parallel_loop3A_430 = arith.index_cast %parallel_loop3A_407 : i32 to index
      %parallel_loop3A_431 = tpu.vector_load %arg6[%parallel_loop3A_429, %parallel_loop3A_430] {strides = array<i32>} : memref<16x512xf32, #tpu.memory_space<vmem>>, vector<16xf32>,
      %parallel_loop3A_432 = arith.constant 6 : i32
      %parallel_loop3A_433 = arith.index_cast %parallel_loop3A_432 : i32 to index
      %parallel_loop3A_434 = arith.index_cast %parallel_loop3A_407 : i32 to index
      %parallel_loop3A_435 = tpu.vector_load %arg6[%parallel_loop3A_433, %parallel_loop3A_434] {strides = array<i32>} : memref<16x512xf32, #tpu.memory_space<vmem>>, vector<16xf32>,
      %parallel_loop3A_436 = arith.constant 7 : i32
      %parallel_loop3A_437 = arith.index_cast %parallel_loop3A_436 : i32 to index
      %parallel_loop3A_438 = arith.index_cast %parallel_loop3A_407 : i32 to index
      %parallel_loop3A_439 = tpu.vector_load %arg6[%parallel_loop3A_437, %parallel_loop3A_438] {strides = array<i32>} : memref<16x512xf32, #tpu.memory_space<vmem>>, vector<16xf32>,
      %parallel_loop3A_440 = arith.constant 8 : i32
      %parallel_loop3A_441 = arith.index_cast %parallel_loop3A_440 : i32 to index
      %parallel_loop3A_442 = arith.index_cast %parallel_loop3A_407 : i32 to index
      %parallel_loop3A_443 = tpu.vector_load %arg6[%parallel_loop3A_441, %parallel_loop3A_442] {strides = array<i32>} : memref<16x512xf32, #tpu.memory_space<vmem>>, vector<16xf32>,
      %parallel_loop3A_444 = arith.constant 9 : i32
      %parallel_loop3A_445 = arith.index_cast %parallel_loop3A_444 : i32 to index
      %parallel_loop3A_446 = arith.index_cast %parallel_loop3A_407 : i32 to index
      %parallel_loop3A_447 = tpu.vector_load %arg6[%parallel_loop3A_445, %parallel_loop3A_446] {strides = array<i32>} : memref<16x512xf32, #tpu.memory_space<vmem>>, vector<16xf32>,
      %parallel_loop3A_448 = arith.constant 10 : i32
      %parallel_loop3A_449 = arith.index_cast %parallel_loop3A_448 : i32 to index
      %parallel_loop3A_450 = arith.index_cast %parallel_loop3A_407 : i32 to index
      %parallel_loop3A_451 = tpu.vector_load %arg6[%parallel_loop3A_449, %parallel_loop3A_450] {strides = array<i32>} : memref<16x512xf32, #tpu.memory_space<vmem>>, vector<16xf32>,
      %parallel_loop3A_452 = arith.constant 11 : i32
      %parallel_loop3A_453 = arith.index_cast %parallel_loop3A_452 : i32 to index
      %parallel_loop3A_454 = arith.index_cast %parallel_loop3A_407 : i32 to index
      %parallel_loop3A_455 = tpu.vector_load %arg6[%parallel_loop3A_453, %parallel_loop3A_454] {strides = array<i32>} : memref<16x512xf32, #tpu.memory_space<vmem>>, vector<16xf32>,
      %parallel_loop3A_456 = arith.constant 12 : i32
      %parallel_loop3A_457 = arith.index_cast %parallel_loop3A_456 : i32 to index
      %parallel_loop3A_458 = arith.index_cast %parallel_loop3A_407 : i32 to index
      %parallel_loop3A_459 = tpu.vector_load %arg6[%parallel_loop3A_457, %parallel_loop3A_458] {strides = array<i32>} : memref<16x512xf32, #tpu.memory_space<vmem>>, vector<16xf32>,
      %parallel_loop3A_460 = arith.constant 13 : i32
      %parallel_loop3A_461 = arith.index_cast %parallel_loop3A_460 : i32 to index
      %parallel_loop3A_462 = arith.index_cast %parallel_loop3A_407 : i32 to index
      %parallel_loop3A_463 = tpu.vector_load %arg6[%parallel_loop3A_461, %parallel_loop3A_462] {strides = array<i32>} : memref<16x512xf32, #tpu.memory_space<vmem>>, vector<16xf32>,
      %parallel_loop3A_464 = arith.constant 14 : i32
      %parallel_loop3A_465 = arith.index_cast %parallel_loop3A_464 : i32 to index
      %parallel_loop3A_466 = arith.index_cast %parallel_loop3A_407 : i32 to index
      %parallel_loop3A_467 = tpu.vector_load %arg6[%parallel_loop3A_465, %parallel_loop3A_466] {strides = array<i32>} : memref<16x512xf32, #tpu.memory_space<vmem>>, vector<16xf32>,
      %parallel_loop3A_468 = arith.constant 15 : i32
      %parallel_loop3A_469 = arith.index_cast %parallel_loop3A_468 : i32 to index
      %parallel_loop3A_470 = arith.index_cast %parallel_loop3A_407 : i32 to index
      %parallel_loop3A_471 = tpu.vector_load %arg6[%parallel_loop3A_469, %parallel_loop3A_470] {strides = array<i32>} : memref<16x512xf32, #tpu.memory_space<vmem>>, vector<16xf32>,
      %parallel_loop3A_472 = arith.constant 0 : i32
      %parallel_loop3A_473 = vector.broadcast %parallel_loop3A_472 : i32 to vector<16xi32>
      %parallel_loop3A_474 = arith.constant -3.000000e+38 : f32
      %parallel_loop3A_475 = vector.broadcast %parallel_loop3A_474 : f32 to vector<16xf32>
      %parallel_loop3A_476 = arith.constant 0 : i32
      %parallel_loop3A_477 = vector.broadcast %parallel_loop3A_476 : i32 to vector<16xi32>
      %parallel_loop3A_478 = arith.constant 1 : i32
      %parallel_loop3A_479 = vector.broadcast %parallel_loop3A_478 : i32 to vector<16xi32>
      %parallel_loop3A_480 = arith.cmpf ogt, %parallel_loop3A_415, %parallel_loop3A_411 : vector<16xf32>
      %parallel_loop3A_481 = arith.cmpf ogt, %parallel_loop3A_415, %parallel_loop3A_475 : vector<16xf32>
      %parallel_loop3A_482 = arith.select %parallel_loop3A_481, %parallel_loop3A_479, %parallel_loop3A_477 : vector<16xi1>, vector<16xi32>
      %parallel_loop3A_483 = arith.select %parallel_loop3A_480, %parallel_loop3A_473, %parallel_loop3A_482 : vector<16xi1>, vector<16xi32>
      %parallel_loop3A_484 = arith.select %parallel_loop3A_481, %parallel_loop3A_415, %parallel_loop3A_475 : vector<16xi1>, vector<16xf32>
      %parallel_loop3A_485 = arith.select %parallel_loop3A_480, %parallel_loop3A_411, %parallel_loop3A_484 : vector<16xi1>, vector<16xf32>
      %parallel_loop3A_486 = arith.select %parallel_loop3A_480, %parallel_loop3A_479, %parallel_loop3A_473 : vector<16xi1>, vector<16xi32>
      %parallel_loop3A_487 = arith.select %parallel_loop3A_480, %parallel_loop3A_415, %parallel_loop3A_411 : vector<16xi1>, vector<16xf32>
      %parallel_loop3A_488 = arith.constant 2 : i32
      %parallel_loop3A_489 = vector.broadcast %parallel_loop3A_488 : i32 to vector<16xi32>
      %parallel_loop3A_490 = arith.cmpf ogt, %parallel_loop3A_419, %parallel_loop3A_487 : vector<16xf32>
      %parallel_loop3A_491 = arith.cmpf ogt, %parallel_loop3A_419, %parallel_loop3A_485 : vector<16xf32>
      %parallel_loop3A_492 = arith.select %parallel_loop3A_491, %parallel_loop3A_489, %parallel_loop3A_483 : vector<16xi1>, vector<16xi32>
      %parallel_loop3A_493 = arith.select %parallel_loop3A_490, %parallel_loop3A_486, %parallel_loop3A_492 : vector<16xi1>, vector<16xi32>
      %parallel_loop3A_494 = arith.select %parallel_loop3A_491, %parallel_loop3A_419, %parallel_loop3A_485 : vector<16xi1>, vector<16xf32>
      %parallel_loop3A_495 = arith.select %parallel_loop3A_490, %parallel_loop3A_487, %parallel_loop3A_494 : vector<16xi1>, vector<16xf32>
      %parallel_loop3A_496 = arith.select %parallel_loop3A_490, %parallel_loop3A_489, %parallel_loop3A_486 : vector<16xi1>, vector<16xi32>
      %parallel_loop3A_497 = arith.select %parallel_loop3A_490, %parallel_loop3A_419, %parallel_loop3A_487 : vector<16xi1>, vector<16xf32>
      %parallel_loop3A_498 = arith.constant 3 : i32
      %parallel_loop3A_499 = vector.broadcast %parallel_loop3A_498 : i32 to vector<16xi32>
      %parallel_loop3A_500 = arith.cmpf ogt, %parallel_loop3A_423, %parallel_loop3A_497 : vector<16xf32>
      %parallel_loop3A_501 = arith.cmpf ogt, %parallel_loop3A_423, %parallel_loop3A_495 : vector<16xf32>
      %parallel_loop3A_502 = arith.select %parallel_loop3A_501, %parallel_loop3A_499, %parallel_loop3A_493 : vector<16xi1>, vector<16xi32>
      %parallel_loop3A_503 = arith.select %parallel_loop3A_500, %parallel_loop3A_496, %parallel_loop3A_502 : vector<16xi1>, vector<16xi32>
      %parallel_loop3A_504 = arith.select %parallel_loop3A_501, %parallel_loop3A_423, %parallel_loop3A_495 : vector<16xi1>, vector<16xf32>
      %parallel_loop3A_505 = arith.select %parallel_loop3A_500, %parallel_loop3A_497, %parallel_loop3A_504 : vector<16xi1>, vector<16xf32>
      %parallel_loop3A_506 = arith.select %parallel_loop3A_500, %parallel_loop3A_499, %parallel_loop3A_496 : vector<16xi1>, vector<16xi32>
      %parallel_loop3A_507 = arith.select %parallel_loop3A_500, %parallel_loop3A_423, %parallel_loop3A_497 : vector<16xi1>, vector<16xf32>
      %parallel_loop3A_508 = arith.constant 4 : i32
      %parallel_loop3A_509 = vector.broadcast %parallel_loop3A_508 : i32 to vector<16xi32>
      %parallel_loop3A_510 = arith.cmpf ogt, %parallel_loop3A_427, %parallel_loop3A_507 : vector<16xf32>
      %parallel_loop3A_511 = arith.cmpf ogt, %parallel_loop3A_427, %parallel_loop3A_505 : vector<16xf32>
      %parallel_loop3A_512 = arith.select %parallel_loop3A_511, %parallel_loop3A_509, %parallel_loop3A_503 : vector<16xi1>, vector<16xi32>
      %parallel_loop3A_513 = arith.select %parallel_loop3A_510, %parallel_loop3A_506, %parallel_loop3A_512 : vector<16xi1>, vector<16xi32>
      %parallel_loop3A_514 = arith.select %parallel_loop3A_511, %parallel_loop3A_427, %parallel_loop3A_505 : vector<16xi1>, vector<16xf32>
      %parallel_loop3A_515 = arith.select %parallel_loop3A_510, %parallel_loop3A_507, %parallel_loop3A_514 : vector<16xi1>, vector<16xf32>
      %parallel_loop3A_516 = arith.select %parallel_loop3A_510, %parallel_loop3A_509, %parallel_loop3A_506 : vector<16xi1>, vector<16xi32>
      %parallel_loop3A_517 = arith.select %parallel_loop3A_510, %parallel_loop3A_427, %parallel_loop3A_507 : vector<16xi1>, vector<16xf32>
      %parallel_loop3A_518 = arith.constant 5 : i32
      %parallel_loop3A_519 = vector.broadcast %parallel_loop3A_518 : i32 to vector<16xi32>
      %parallel_loop3A_520 = arith.cmpf ogt, %parallel_loop3A_431, %parallel_loop3A_517 : vector<16xf32>
      %parallel_loop3A_521 = arith.cmpf ogt, %parallel_loop3A_431, %parallel_loop3A_515 : vector<16xf32>
      %parallel_loop3A_522 = arith.select %parallel_loop3A_521, %parallel_loop3A_519, %parallel_loop3A_513 : vector<16xi1>, vector<16xi32>
      %parallel_loop3A_523 = arith.select %parallel_loop3A_520, %parallel_loop3A_516, %parallel_loop3A_522 : vector<16xi1>, vector<16xi32>
      %parallel_loop3A_524 = arith.select %parallel_loop3A_521, %parallel_loop3A_431, %parallel_loop3A_515 : vector<16xi1>, vector<16xf32>
      %parallel_loop3A_525 = arith.select %parallel_loop3A_520, %parallel_loop3A_517, %parallel_loop3A_524 : vector<16xi1>, vector<16xf32>
      %parallel_loop3A_526 = arith.select %parallel_loop3A_520, %parallel_loop3A_519, %parallel_loop3A_516 : vector<16xi1>, vector<16xi32>
      %parallel_loop3A_527 = arith.select %parallel_loop3A_520, %parallel_loop3A_431, %parallel_loop3A_517 : vector<16xi1>, vector<16xf32>
      %parallel_loop3A_528 = arith.constant 6 : i32
      %parallel_loop3A_529 = vector.broadcast %parallel_loop3A_528 : i32 to vector<16xi32>
      %parallel_loop3A_530 = arith.cmpf ogt, %parallel_loop3A_435, %parallel_loop3A_527 : vector<16xf32>
      %parallel_loop3A_531 = arith.cmpf ogt, %parallel_loop3A_435, %parallel_loop3A_525 : vector<16xf32>
      %parallel_loop3A_532 = arith.select %parallel_loop3A_531, %parallel_loop3A_529, %parallel_loop3A_523 : vector<16xi1>, vector<16xi32>
      %parallel_loop3A_533 = arith.select %parallel_loop3A_530, %parallel_loop3A_526, %parallel_loop3A_532 : vector<16xi1>, vector<16xi32>
      %parallel_loop3A_534 = arith.select %parallel_loop3A_531, %parallel_loop3A_435, %parallel_loop3A_525 : vector<16xi1>, vector<16xf32>
      %parallel_loop3A_535 = arith.select %parallel_loop3A_530, %parallel_loop3A_527, %parallel_loop3A_534 : vector<16xi1>, vector<16xf32>
      %parallel_loop3A_536 = arith.select %parallel_loop3A_530, %parallel_loop3A_529, %parallel_loop3A_526 : vector<16xi1>, vector<16xi32>
      %parallel_loop3A_537 = arith.select %parallel_loop3A_530, %parallel_loop3A_435, %parallel_loop3A_527 : vector<16xi1>, vector<16xf32>
      %parallel_loop3A_538 = arith.constant 7 : i32
      %parallel_loop3A_539 = vector.broadcast %parallel_loop3A_538 : i32 to vector<16xi32>
      %parallel_loop3A_540 = arith.cmpf ogt, %parallel_loop3A_439, %parallel_loop3A_537 : vector<16xf32>
      %parallel_loop3A_541 = arith.cmpf ogt, %parallel_loop3A_439, %parallel_loop3A_535 : vector<16xf32>
      %parallel_loop3A_542 = arith.select %parallel_loop3A_541, %parallel_loop3A_539, %parallel_loop3A_533 : vector<16xi1>, vector<16xi32>
      %parallel_loop3A_543 = arith.select %parallel_loop3A_540, %parallel_loop3A_536, %parallel_loop3A_542 : vector<16xi1>, vector<16xi32>
      %parallel_loop3A_544 = arith.select %parallel_loop3A_541, %parallel_loop3A_439, %parallel_loop3A_535 : vector<16xi1>, vector<16xf32>
      %parallel_loop3A_545 = arith.select %parallel_loop3A_540, %parallel_loop3A_537, %parallel_loop3A_544 : vector<16xi1>, vector<16xf32>
      %parallel_loop3A_546 = arith.select %parallel_loop3A_540, %parallel_loop3A_539, %parallel_loop3A_536 : vector<16xi1>, vector<16xi32>
      %parallel_loop3A_547 = arith.select %parallel_loop3A_540, %parallel_loop3A_439, %parallel_loop3A_537 : vector<16xi1>, vector<16xf32>
      %parallel_loop3A_548 = arith.constant 8 : i32
      %parallel_loop3A_549 = vector.broadcast %parallel_loop3A_548 : i32 to vector<16xi32>
      %parallel_loop3A_550 = arith.cmpf ogt, %parallel_loop3A_443, %parallel_loop3A_547 : vector<16xf32>
      %parallel_loop3A_551 = arith.cmpf ogt, %parallel_loop3A_443, %parallel_loop3A_545 : vector<16xf32>
      %parallel_loop3A_552 = arith.select %parallel_loop3A_551, %parallel_loop3A_549, %parallel_loop3A_543 : vector<16xi1>, vector<16xi32>
      %parallel_loop3A_553 = arith.select %parallel_loop3A_550, %parallel_loop3A_546, %parallel_loop3A_552 : vector<16xi1>, vector<16xi32>
      %parallel_loop3A_554 = arith.select %parallel_loop3A_551, %parallel_loop3A_443, %parallel_loop3A_545 : vector<16xi1>, vector<16xf32>
      %parallel_loop3A_555 = arith.select %parallel_loop3A_550, %parallel_loop3A_547, %parallel_loop3A_554 : vector<16xi1>, vector<16xf32>
      %parallel_loop3A_556 = arith.select %parallel_loop3A_550, %parallel_loop3A_549, %parallel_loop3A_546 : vector<16xi1>, vector<16xi32>
      %parallel_loop3A_557 = arith.select %parallel_loop3A_550, %parallel_loop3A_443, %parallel_loop3A_547 : vector<16xi1>, vector<16xf32>
      %parallel_loop3A_558 = arith.constant 9 : i32
      %parallel_loop3A_559 = vector.broadcast %parallel_loop3A_558 : i32 to vector<16xi32>
      %parallel_loop3A_560 = arith.cmpf ogt, %parallel_loop3A_447, %parallel_loop3A_557 : vector<16xf32>
      %parallel_loop3A_561 = arith.cmpf ogt, %parallel_loop3A_447, %parallel_loop3A_555 : vector<16xf32>
      %parallel_loop3A_562 = arith.select %parallel_loop3A_561, %parallel_loop3A_559, %parallel_loop3A_553 : vector<16xi1>, vector<16xi32>
      %parallel_loop3A_563 = arith.select %parallel_loop3A_560, %parallel_loop3A_556, %parallel_loop3A_562 : vector<16xi1>, vector<16xi32>
      %parallel_loop3A_564 = arith.select %parallel_loop3A_561, %parallel_loop3A_447, %parallel_loop3A_555 : vector<16xi1>, vector<16xf32>
      %parallel_loop3A_565 = arith.select %parallel_loop3A_560, %parallel_loop3A_557, %parallel_loop3A_564 : vector<16xi1>, vector<16xf32>
      %parallel_loop3A_566 = arith.select %parallel_loop3A_560, %parallel_loop3A_559, %parallel_loop3A_556 : vector<16xi1>, vector<16xi32>
      %parallel_loop3A_567 = arith.select %parallel_loop3A_560, %parallel_loop3A_447, %parallel_loop3A_557 : vector<16xi1>, vector<16xf32>
      %parallel_loop3A_568 = arith.constant 10 : i32
      %parallel_loop3A_569 = vector.broadcast %parallel_loop3A_568 : i32 to vector<16xi32>
      %parallel_loop3A_570 = arith.cmpf ogt, %parallel_loop3A_451, %parallel_loop3A_567 : vector<16xf32>
      %parallel_loop3A_571 = arith.cmpf ogt, %parallel_loop3A_451, %parallel_loop3A_565 : vector<16xf32>
      %parallel_loop3A_572 = arith.select %parallel_loop3A_571, %parallel_loop3A_569, %parallel_loop3A_563 : vector<16xi1>, vector<16xi32>
      %parallel_loop3A_573 = arith.select %parallel_loop3A_570, %parallel_loop3A_566, %parallel_loop3A_572 : vector<16xi1>, vector<16xi32>
      %parallel_loop3A_574 = arith.select %parallel_loop3A_571, %parallel_loop3A_451, %parallel_loop3A_565 : vector<16xi1>, vector<16xf32>
      %parallel_loop3A_575 = arith.select %parallel_loop3A_570, %parallel_loop3A_567, %parallel_loop3A_574 : vector<16xi1>, vector<16xf32>
      %parallel_loop3A_576 = arith.select %parallel_loop3A_570, %parallel_loop3A_569, %parallel_loop3A_566 : vector<16xi1>, vector<16xi32>
      %parallel_loop3A_577 = arith.select %parallel_loop3A_570, %parallel_loop3A_451, %parallel_loop3A_567 : vector<16xi1>, vector<16xf32>
      %parallel_loop3A_578 = arith.constant 11 : i32
      %parallel_loop3A_579 = vector.broadcast %parallel_loop3A_578 : i32 to vector<16xi32>
      %parallel_loop3A_580 = arith.cmpf ogt, %parallel_loop3A_455, %parallel_loop3A_577 : vector<16xf32>
      %parallel_loop3A_581 = arith.cmpf ogt, %parallel_loop3A_455, %parallel_loop3A_575 : vector<16xf32>
      %parallel_loop3A_582 = arith.select %parallel_loop3A_581, %parallel_loop3A_579, %parallel_loop3A_573 : vector<16xi1>, vector<16xi32>
      %parallel_loop3A_583 = arith.select %parallel_loop3A_580, %parallel_loop3A_576, %parallel_loop3A_582 : vector<16xi1>, vector<16xi32>
      %parallel_loop3A_584 = arith.select %parallel_loop3A_581, %parallel_loop3A_455, %parallel_loop3A_575 : vector<16xi1>, vector<16xf32>
      %parallel_loop3A_585 = arith.select %parallel_loop3A_580, %parallel_loop3A_577, %parallel_loop3A_584 : vector<16xi1>, vector<16xf32>
      %parallel_loop3A_586 = arith.select %parallel_loop3A_580, %parallel_loop3A_579, %parallel_loop3A_576 : vector<16xi1>, vector<16xi32>
      %parallel_loop3A_587 = arith.select %parallel_loop3A_580, %parallel_loop3A_455, %parallel_loop3A_577 : vector<16xi1>, vector<16xf32>
      %parallel_loop3A_588 = arith.constant 12 : i32
      %parallel_loop3A_589 = vector.broadcast %parallel_loop3A_588 : i32 to vector<16xi32>
      %parallel_loop3A_590 = arith.cmpf ogt, %parallel_loop3A_459, %parallel_loop3A_587 : vector<16xf32>
      %parallel_loop3A_591 = arith.cmpf ogt, %parallel_loop3A_459, %parallel_loop3A_585 : vector<16xf32>
      %parallel_loop3A_592 = arith.select %parallel_loop3A_591, %parallel_loop3A_589, %parallel_loop3A_583 : vector<16xi1>, vector<16xi32>
      %parallel_loop3A_593 = arith.select %parallel_loop3A_590, %parallel_loop3A_586, %parallel_loop3A_592 : vector<16xi1>, vector<16xi32>
      %parallel_loop3A_594 = arith.select %parallel_loop3A_591, %parallel_loop3A_459, %parallel_loop3A_585 : vector<16xi1>, vector<16xf32>
      %parallel_loop3A_595 = arith.select %parallel_loop3A_590, %parallel_loop3A_587, %parallel_loop3A_594 : vector<16xi1>, vector<16xf32>
      %parallel_loop3A_596 = arith.select %parallel_loop3A_590, %parallel_loop3A_589, %parallel_loop3A_586 : vector<16xi1>, vector<16xi32>
      %parallel_loop3A_597 = arith.select %parallel_loop3A_590, %parallel_loop3A_459, %parallel_loop3A_587 : vector<16xi1>, vector<16xf32>
      %parallel_loop3A_598 = arith.constant 13 : i32
      %parallel_loop3A_599 = vector.broadcast %parallel_loop3A_598 : i32 to vector<16xi32>
      %parallel_loop3A_600 = arith.cmpf ogt, %parallel_loop3A_463, %parallel_loop3A_597 : vector<16xf32>
      %parallel_loop3A_601 = arith.cmpf ogt, %parallel_loop3A_463, %parallel_loop3A_595 : vector<16xf32>
      %parallel_loop3A_602 = arith.select %parallel_loop3A_601, %parallel_loop3A_599, %parallel_loop3A_593 : vector<16xi1>, vector<16xi32>
      %parallel_loop3A_603 = arith.select %parallel_loop3A_600, %parallel_loop3A_596, %parallel_loop3A_602 : vector<16xi1>, vector<16xi32>
      %parallel_loop3A_604 = arith.select %parallel_loop3A_601, %parallel_loop3A_463, %parallel_loop3A_595 : vector<16xi1>, vector<16xf32>
      %parallel_loop3A_605 = arith.select %parallel_loop3A_600, %parallel_loop3A_597, %parallel_loop3A_604 : vector<16xi1>, vector<16xf32>
      %parallel_loop3A_606 = arith.select %parallel_loop3A_600, %parallel_loop3A_599, %parallel_loop3A_596 : vector<16xi1>, vector<16xi32>
      %parallel_loop3A_607 = arith.select %parallel_loop3A_600, %parallel_loop3A_463, %parallel_loop3A_597 : vector<16xi1>, vector<16xf32>
      %parallel_loop3A_608 = arith.constant 14 : i32
      %parallel_loop3A_609 = vector.broadcast %parallel_loop3A_608 : i32 to vector<16xi32>
      %parallel_loop3A_610 = arith.cmpf ogt, %parallel_loop3A_467, %parallel_loop3A_607 : vector<16xf32>
      %parallel_loop3A_611 = arith.cmpf ogt, %parallel_loop3A_467, %parallel_loop3A_605 : vector<16xf32>
      %parallel_loop3A_612 = arith.select %parallel_loop3A_611, %parallel_loop3A_609, %parallel_loop3A_603 : vector<16xi1>, vector<16xi32>
      %parallel_loop3A_613 = arith.select %parallel_loop3A_610, %parallel_loop3A_606, %parallel_loop3A_612 : vector<16xi1>, vector<16xi32>
      %parallel_loop3A_614 = arith.select %parallel_loop3A_611, %parallel_loop3A_467, %parallel_loop3A_605 : vector<16xi1>, vector<16xf32>
      %parallel_loop3A_615 = arith.select %parallel_loop3A_610, %parallel_loop3A_607, %parallel_loop3A_614 : vector<16xi1>, vector<16xf32>
      %parallel_loop3A_616 = arith.select %parallel_loop3A_610, %parallel_loop3A_609, %parallel_loop3A_606 : vector<16xi1>, vector<16xi32>
      %parallel_loop3A_617 = arith.select %parallel_loop3A_610, %parallel_loop3A_467, %parallel_loop3A_607 : vector<16xi1>, vector<16xf32>
      %parallel_loop3A_618 = arith.constant 15 : i32
      %parallel_loop3A_619 = vector.broadcast %parallel_loop3A_618 : i32 to vector<16xi32>
      %parallel_loop3A_620 = arith.cmpf ogt, %parallel_loop3A_471, %parallel_loop3A_617 : vector<16xf32>
      %parallel_loop3A_621 = arith.cmpf ogt, %parallel_loop3A_471, %parallel_loop3A_615 : vector<16xf32>
      %parallel_loop3A_622 = arith.select %parallel_loop3A_621, %parallel_loop3A_619, %parallel_loop3A_613 : vector<16xi1>, vector<16xi32>
      %parallel_loop3A_623 = arith.select %parallel_loop3A_620, %parallel_loop3A_616, %parallel_loop3A_622 : vector<16xi1>, vector<16xi32>
      %parallel_loop3A_624 = arith.select %parallel_loop3A_621, %parallel_loop3A_471, %parallel_loop3A_615 : vector<16xi1>, vector<16xf32>
      %parallel_loop3A_625 = arith.select %parallel_loop3A_620, %parallel_loop3A_617, %parallel_loop3A_624 : vector<16xi1>, vector<16xf32>
      %parallel_loop3A_626 = arith.select %parallel_loop3A_620, %parallel_loop3A_619, %parallel_loop3A_616 : vector<16xi1>, vector<16xi32>
      %parallel_loop3A_627 = arith.select %parallel_loop3A_620, %parallel_loop3A_471, %parallel_loop3A_617 : vector<16xi1>, vector<16xf32>
      %parallel_loop3A_628 = arith.subf %parallel_loop3A_625, %parallel_loop3A_627 : vector<16xf32>
      %parallel_loop3A_629 = math.exp %parallel_loop3A_628 : vector<16xf32>
      %parallel_loop3A_630 = arith.constant 1.000000e+00 : f32
      %parallel_loop3A_631 = vector.broadcast %parallel_loop3A_630 : f32 to vector<16xf32>
      %parallel_loop3A_632 = arith.addf %parallel_loop3A_631, %parallel_loop3A_629 : vector<16xf32>
      %parallel_loop3A_633 = arith.constant 1.000000e+00 : f32
      %parallel_loop3A_634 = vector.broadcast %parallel_loop3A_633 : f32 to vector<16xf32>
      %parallel_loop3A_635 = arith.divf %parallel_loop3A_634, %parallel_loop3A_632 : vector<16xf32>
      %parallel_loop3A_636 = arith.index_cast %parallel_loop3A_407 : i32 to index
      %parallel_loop3A_637 = tpu.vector_load %arg7[%parallel_loop3A_636] {strides = array<i32>} : memref<512xi32, #tpu.memory_space<vmem>>, vector<16xi32>,
      tpu.vector_store %arg7[%parallel_loop3A_636], %parallel_loop3A_626 {strides = array<i32>} : memref<512xi32, #tpu.memory_space<vmem>>, vector<16xi32>,
      %parallel_loop3A_638 = arith.index_cast %parallel_loop3A_407 : i32 to index
      %parallel_loop3A_639 = tpu.vector_load %arg8[%parallel_loop3A_638] {strides = array<i32>} : memref<512xi32, #tpu.memory_space<vmem>>, vector<16xi32>,
      tpu.vector_store %arg8[%parallel_loop3A_638], %parallel_loop3A_623 {strides = array<i32>} : memref<512xi32, #tpu.memory_space<vmem>>, vector<16xi32>,
      %parallel_loop3A_640 = arith.index_cast %parallel_loop3A_407 : i32 to index
      %parallel_loop3A_641 = tpu.vector_load %arg9[%parallel_loop3A_640] {strides = array<i32>} : memref<512xf32, #tpu.memory_space<vmem>>, vector<16xf32>,
      tpu.vector_store %arg9[%parallel_loop3A_640], %parallel_loop3A_635 {strides = array<i32>} : memref<512xf32, #tpu.memory_space<vmem>>, vector<16xf32>,
      %parallel_loop3A_642 = arith.mulf %parallel_loop3A_629, %parallel_loop3A_635 : vector<16xf32>
      %parallel_loop3A_643 = arith.index_cast %parallel_loop3A_407 : i32 to index
      %parallel_loop3A_644 = tpu.vector_load %arg10[%parallel_loop3A_643] {strides = array<i32>} : memref<512xf32, #tpu.memory_space<vmem>>, vector<16xf32>,
      tpu.vector_store %arg10[%parallel_loop3A_643], %parallel_loop3A_642 {strides = array<i32>} : memref<512xf32, #tpu.memory_space<vmem>>, vector<16xf32>,
      %parallel_loop3A_645 = arith.subf %parallel_loop3A_411, %parallel_loop3A_627 : vector<16xf32>
      %parallel_loop3A_646 = math.exp %parallel_loop3A_645 : vector<16xf32>
      %parallel_loop3A_647 = arith.subf %parallel_loop3A_415, %parallel_loop3A_627 : vector<16xf32>
      %parallel_loop3A_648 = math.exp %parallel_loop3A_647 : vector<16xf32>
      %parallel_loop3A_649 = arith.subf %parallel_loop3A_419, %parallel_loop3A_627 : vector<16xf32>
      %parallel_loop3A_650 = math.exp %parallel_loop3A_649 : vector<16xf32>
      %parallel_loop3A_651 = arith.subf %parallel_loop3A_423, %parallel_loop3A_627 : vector<16xf32>
      %parallel_loop3A_652 = math.exp %parallel_loop3A_651 : vector<16xf32>
      %parallel_loop3A_653 = arith.subf %parallel_loop3A_427, %parallel_loop3A_627 : vector<16xf32>
      %parallel_loop3A_654 = math.exp %parallel_loop3A_653 : vector<16xf32>
      %parallel_loop3A_655 = arith.subf %parallel_loop3A_431, %parallel_loop3A_627 : vector<16xf32>
      %parallel_loop3A_656 = math.exp %parallel_loop3A_655 : vector<16xf32>
      %parallel_loop3A_657 = arith.subf %parallel_loop3A_435, %parallel_loop3A_627 : vector<16xf32>
      %parallel_loop3A_658 = math.exp %parallel_loop3A_657 : vector<16xf32>
      %parallel_loop3A_659 = arith.subf %parallel_loop3A_439, %parallel_loop3A_627 : vector<16xf32>
      %parallel_loop3A_660 = math.exp %parallel_loop3A_659 : vector<16xf32>
      %parallel_loop3A_661 = arith.subf %parallel_loop3A_443, %parallel_loop3A_627 : vector<16xf32>
      %parallel_loop3A_662 = math.exp %parallel_loop3A_661 : vector<16xf32>
      %parallel_loop3A_663 = arith.subf %parallel_loop3A_447, %parallel_loop3A_627 : vector<16xf32>
      %parallel_loop3A_664 = math.exp %parallel_loop3A_663 : vector<16xf32>
      %parallel_loop3A_665 = arith.subf %parallel_loop3A_451, %parallel_loop3A_627 : vector<16xf32>
      %parallel_loop3A_666 = math.exp %parallel_loop3A_665 : vector<16xf32>
      %parallel_loop3A_667 = arith.subf %parallel_loop3A_455, %parallel_loop3A_627 : vector<16xf32>
      %parallel_loop3A_668 = math.exp %parallel_loop3A_667 : vector<16xf32>
      %parallel_loop3A_669 = arith.subf %parallel_loop3A_459, %parallel_loop3A_627 : vector<16xf32>
      %parallel_loop3A_670 = math.exp %parallel_loop3A_669 : vector<16xf32>
      %parallel_loop3A_671 = arith.subf %parallel_loop3A_463, %parallel_loop3A_627 : vector<16xf32>
      %parallel_loop3A_672 = math.exp %parallel_loop3A_671 : vector<16xf32>
      %parallel_loop3A_673 = arith.subf %parallel_loop3A_467, %parallel_loop3A_627 : vector<16xf32>
      %parallel_loop3A_674 = math.exp %parallel_loop3A_673 : vector<16xf32>
      %parallel_loop3A_675 = arith.subf %parallel_loop3A_471, %parallel_loop3A_627 : vector<16xf32>
      %parallel_loop3A_676 = math.exp %parallel_loop3A_675 : vector<16xf32>
      %parallel_loop3A_677 = arith.addf %parallel_loop3A_646, %parallel_loop3A_648 : vector<16xf32>
      %parallel_loop3A_678 = arith.addf %parallel_loop3A_677, %parallel_loop3A_650 : vector<16xf32>
      %parallel_loop3A_679 = arith.addf %parallel_loop3A_678, %parallel_loop3A_652 : vector<16xf32>
      %parallel_loop3A_680 = arith.addf %parallel_loop3A_679, %parallel_loop3A_654 : vector<16xf32>
      %parallel_loop3A_681 = arith.addf %parallel_loop3A_680, %parallel_loop3A_656 : vector<16xf32>
      %parallel_loop3A_682 = arith.addf %parallel_loop3A_681, %parallel_loop3A_658 : vector<16xf32>
      %parallel_loop3A_683 = arith.addf %parallel_loop3A_682, %parallel_loop3A_660 : vector<16xf32>
      %parallel_loop3A_684 = arith.addf %parallel_loop3A_683, %parallel_loop3A_662 : vector<16xf32>
      %parallel_loop3A_685 = arith.addf %parallel_loop3A_684, %parallel_loop3A_664 : vector<16xf32>
      %parallel_loop3A_686 = arith.addf %parallel_loop3A_685, %parallel_loop3A_666 : vector<16xf32>
      %parallel_loop3A_687 = arith.addf %parallel_loop3A_686, %parallel_loop3A_668 : vector<16xf32>
      %parallel_loop3A_688 = arith.addf %parallel_loop3A_687, %parallel_loop3A_670 : vector<16xf32>
      %parallel_loop3A_689 = arith.addf %parallel_loop3A_688, %parallel_loop3A_672 : vector<16xf32>
      %parallel_loop3A_690 = arith.addf %parallel_loop3A_689, %parallel_loop3A_674 : vector<16xf32>
      %parallel_loop3A_691 = arith.addf %parallel_loop3A_690, %parallel_loop3A_676 : vector<16xf32>
      %parallel_loop3A_692 = arith.constant 1.000000e+00 : f32
      %parallel_loop3A_693 = vector.broadcast %parallel_loop3A_692 : f32 to vector<16xf32>
      %parallel_loop3A_694 = arith.divf %parallel_loop3A_693, %parallel_loop3A_691 : vector<16xf32>
      %parallel_loop3A_695 = arith.mulf %parallel_loop3A_646, %parallel_loop3A_694 : vector<16xf32>
      %parallel_loop3A_696 = arith.addf %parallel_loop3A_386, %parallel_loop3A_695 : vector<16xf32>
      %parallel_loop3A_697 = arith.mulf %parallel_loop3A_648, %parallel_loop3A_694 : vector<16xf32>
      %parallel_loop3A_698 = arith.addf %parallel_loop3A_387, %parallel_loop3A_697 : vector<16xf32>
      %parallel_loop3A_699 = arith.mulf %parallel_loop3A_650, %parallel_loop3A_694 : vector<16xf32>
      %parallel_loop3A_700 = arith.addf %parallel_loop3A_388, %parallel_loop3A_699 : vector<16xf32>
      %parallel_loop3A_701 = arith.mulf %parallel_loop3A_652, %parallel_loop3A_694 : vector<16xf32>
      %parallel_loop3A_702 = arith.addf %parallel_loop3A_389, %parallel_loop3A_701 : vector<16xf32>
      %parallel_loop3A_703 = arith.mulf %parallel_loop3A_654, %parallel_loop3A_694 : vector<16xf32>
      %parallel_loop3A_704 = arith.addf %parallel_loop3A_390, %parallel_loop3A_703 : vector<16xf32>
      %parallel_loop3A_705 = arith.mulf %parallel_loop3A_656, %parallel_loop3A_694 : vector<16xf32>
      %parallel_loop3A_706 = arith.addf %parallel_loop3A_391, %parallel_loop3A_705 : vector<16xf32>
      %parallel_loop3A_707 = arith.mulf %parallel_loop3A_658, %parallel_loop3A_694 : vector<16xf32>
      %parallel_loop3A_708 = arith.addf %parallel_loop3A_392, %parallel_loop3A_707 : vector<16xf32>
      %parallel_loop3A_709 = arith.mulf %parallel_loop3A_660, %parallel_loop3A_694 : vector<16xf32>
      %parallel_loop3A_710 = arith.addf %parallel_loop3A_393, %parallel_loop3A_709 : vector<16xf32>
      %parallel_loop3A_711 = arith.mulf %parallel_loop3A_662, %parallel_loop3A_694 : vector<16xf32>
      %parallel_loop3A_712 = arith.addf %parallel_loop3A_394, %parallel_loop3A_711 : vector<16xf32>
      %parallel_loop3A_713 = arith.mulf %parallel_loop3A_664, %parallel_loop3A_694 : vector<16xf32>
      %parallel_loop3A_714 = arith.addf %parallel_loop3A_395, %parallel_loop3A_713 : vector<16xf32>
      %parallel_loop3A_715 = arith.mulf %parallel_loop3A_666, %parallel_loop3A_694 : vector<16xf32>
      %parallel_loop3A_716 = arith.addf %parallel_loop3A_396, %parallel_loop3A_715 : vector<16xf32>
      %parallel_loop3A_717 = arith.mulf %parallel_loop3A_668, %parallel_loop3A_694 : vector<16xf32>
      %parallel_loop3A_718 = arith.addf %parallel_loop3A_397, %parallel_loop3A_717 : vector<16xf32>
      %parallel_loop3A_719 = arith.mulf %parallel_loop3A_670, %parallel_loop3A_694 : vector<16xf32>
      %parallel_loop3A_720 = arith.addf %parallel_loop3A_398, %parallel_loop3A_719 : vector<16xf32>
      %parallel_loop3A_721 = arith.mulf %parallel_loop3A_672, %parallel_loop3A_694 : vector<16xf32>
      %parallel_loop3A_722 = arith.addf %parallel_loop3A_399, %parallel_loop3A_721 : vector<16xf32>
      %parallel_loop3A_723 = arith.mulf %parallel_loop3A_674, %parallel_loop3A_694 : vector<16xf32>
      %parallel_loop3A_724 = arith.addf %parallel_loop3A_400, %parallel_loop3A_723 : vector<16xf32>
      %parallel_loop3A_725 = arith.mulf %parallel_loop3A_676, %parallel_loop3A_694 : vector<16xf32>
      %parallel_loop3A_726 = arith.addf %parallel_loop3A_401, %parallel_loop3A_725 : vector<16xf32>
      %parallel_loop3A_727 = arith.constant 3 : i32
      %parallel_loop3A_728 = vector.broadcast %parallel_loop3A_727 : i32 to vector<16xi32>
      %parallel_loop3A_729 = arith.andi %parallel_loop3A_626, %parallel_loop3A_728 : vector<16xi32>
      %parallel_loop3A_730 = arith.constant 3 : i32
      %parallel_loop3A_731 = vector.broadcast %parallel_loop3A_730 : i32 to vector<16xi32>
      %parallel_loop3A_732 = arith.shli %parallel_loop3A_729, %parallel_loop3A_731 : vector<16xi32>
      %parallel_loop3A_733 = arith.shli %broadcast_in_dim3A_7, %parallel_loop3A_732 : vector<16xi32>
      %parallel_loop3A_734 = arith.constant 2 : i32
      %parallel_loop3A_735 = vector.broadcast %parallel_loop3A_734 : i32 to vector<16xi32>
      %parallel_loop3A_736 = arith.shrsi %parallel_loop3A_626, %parallel_loop3A_735 : vector<16xi32>
      %parallel_loop3A_737 = arith.constant 3 : i32
      %parallel_loop3A_738 = vector.broadcast %parallel_loop3A_737 : i32 to vector<16xi32>
      %parallel_loop3A_739 = arith.andi %parallel_loop3A_623, %parallel_loop3A_738 : vector<16xi32>
      %parallel_loop3A_740 = arith.constant 3 : i32
      %parallel_loop3A_741 = vector.broadcast %parallel_loop3A_740 : i32 to vector<16xi32>
      %parallel_loop3A_742 = arith.shli %parallel_loop3A_739, %parallel_loop3A_741 : vector<16xi32>
      %parallel_loop3A_743 = arith.shli %broadcast_in_dim3A_7, %parallel_loop3A_742 : vector<16xi32>
      %parallel_loop3A_744 = arith.constant 2 : i32
      %parallel_loop3A_745 = vector.broadcast %parallel_loop3A_744 : i32 to vector<16xi32>
      %parallel_loop3A_746 = arith.shrsi %parallel_loop3A_623, %parallel_loop3A_745 : vector<16xi32>
      %parallel_loop3A_747 = arith.constant 0 : i32
      %parallel_loop3A_748 = vector.broadcast %parallel_loop3A_747 : i32 to vector<16xi32>
      %parallel_loop3A_749 = arith.cmpi eq, %parallel_loop3A_736, %parallel_loop3A_748 : vector<16xi32>
      %parallel_loop3A_750 = arith.select %parallel_loop3A_749, %parallel_loop3A_733, %broadcast_in_dim3A_5 : vector<16xi1>, vector<16xi32>
      %parallel_loop3A_751 = arith.cmpi eq, %parallel_loop3A_746, %parallel_loop3A_748 : vector<16xi32>
      %parallel_loop3A_752 = arith.select %parallel_loop3A_751, %parallel_loop3A_743, %broadcast_in_dim3A_5 : vector<16xi1>, vector<16xi32>
      %parallel_loop3A_753 = arith.addi %parallel_loop3A_750, %parallel_loop3A_752 : vector<16xi32>
      %parallel_loop3A_754 = arith.addi %parallel_loop3A_402, %parallel_loop3A_753 : vector<16xi32>
      %parallel_loop3A_755 = arith.constant 1 : i32
      %parallel_loop3A_756 = vector.broadcast %parallel_loop3A_755 : i32 to vector<16xi32>
      %parallel_loop3A_757 = arith.cmpi eq, %parallel_loop3A_736, %parallel_loop3A_756 : vector<16xi32>
      %parallel_loop3A_758 = arith.select %parallel_loop3A_757, %parallel_loop3A_733, %broadcast_in_dim3A_5 : vector<16xi1>, vector<16xi32>
      %parallel_loop3A_759 = arith.cmpi eq, %parallel_loop3A_746, %parallel_loop3A_756 : vector<16xi32>
      %parallel_loop3A_760 = arith.select %parallel_loop3A_759, %parallel_loop3A_743, %broadcast_in_dim3A_5 : vector<16xi1>, vector<16xi32>
      %parallel_loop3A_761 = arith.addi %parallel_loop3A_758, %parallel_loop3A_760 : vector<16xi32>
      %parallel_loop3A_762 = arith.addi %parallel_loop3A_403, %parallel_loop3A_761 : vector<16xi32>
      %parallel_loop3A_763 = arith.constant 2 : i32
      %parallel_loop3A_764 = vector.broadcast %parallel_loop3A_763 : i32 to vector<16xi32>
      %parallel_loop3A_765 = arith.cmpi eq, %parallel_loop3A_736, %parallel_loop3A_764 : vector<16xi32>
      %parallel_loop3A_766 = arith.select %parallel_loop3A_765, %parallel_loop3A_733, %broadcast_in_dim3A_5 : vector<16xi1>, vector<16xi32>
      %parallel_loop3A_767 = arith.cmpi eq, %parallel_loop3A_746, %parallel_loop3A_764 : vector<16xi32>
      %parallel_loop3A_768 = arith.select %parallel_loop3A_767, %parallel_loop3A_743, %broadcast_in_dim3A_5 : vector<16xi1>, vector<16xi32>
      %parallel_loop3A_769 = arith.addi %parallel_loop3A_766, %parallel_loop3A_768 : vector<16xi32>
      %parallel_loop3A_770 = arith.addi %parallel_loop3A_404, %parallel_loop3A_769 : vector<16xi32>
      %parallel_loop3A_771 = arith.constant 3 : i32
      %parallel_loop3A_772 = vector.broadcast %parallel_loop3A_771 : i32 to vector<16xi32>
      %parallel_loop3A_773 = arith.cmpi eq, %parallel_loop3A_736, %parallel_loop3A_772 : vector<16xi32>
      %parallel_loop3A_774 = arith.select %parallel_loop3A_773, %parallel_loop3A_733, %broadcast_in_dim3A_5 : vector<16xi1>, vector<16xi32>
      %parallel_loop3A_775 = arith.cmpi eq, %parallel_loop3A_746, %parallel_loop3A_772 : vector<16xi32>
      %parallel_loop3A_776 = arith.select %parallel_loop3A_775, %parallel_loop3A_743, %broadcast_in_dim3A_5 : vector<16xi1>, vector<16xi32>
      %parallel_loop3A_777 = arith.addi %parallel_loop3A_774, %parallel_loop3A_776 : vector<16xi32>
      %parallel_loop3A_778 = arith.addi %parallel_loop3A_405, %parallel_loop3A_777 : vector<16xi32>
      scf.yield %parallel_loop3A_696, %parallel_loop3A_698, %parallel_loop3A_700, %parallel_loop3A_702, %parallel_loop3A_704, %parallel_loop3A_706, %parallel_loop3A_708, %parallel_loop3A_710, %parallel_loop3A_712, %parallel_loop3A_714, %parallel_loop3A_716, %parallel_loop3A_718, %parallel_loop3A_720, %parallel_loop3A_722, %parallel_loop3A_724, %parallel_loop3A_726, %parallel_loop3A_754, %parallel_loop3A_762, %parallel_loop3A_770, %parallel_loop3A_778 : vector<16xf32>, vector<16xf32>, vector<16xf32>, vector<16xf32>, vector<16xf32>, vector<16xf32>, vector<16xf32>, vector<16xf32>, vector<16xf32>, vector<16xf32>, vector<16xf32>, vector<16xf32>, vector<16xf32>, vector<16xf32>, vector<16xf32>, vector<16xf32>, vector<16xi32>, vector<16xi32>, vector<16xi32>, vector<16xi32>
    } {sc.loop_unroll_factor = 1 : i64, sc.parallel_access}
    %broadcast_in_dim3A_11 = arith.constant 255 : i32
    %broadcast_in_dim3A_12 = vector.broadcast %broadcast_in_dim3A_11 : i32 to vector<16xi32>
    %reduce_sum3A = arith.constant true
    %reduce_sum3A_13 = vector.broadcast %reduce_sum3A : i1 to vector<16xi1>
    %reduce_sum3A_14 = tpu.scan <sum>, %parallel_loop3A_10#0 masked %reduce_sum3A_13 : vector<16xf32>, vector<16xi1> -> vector<16xf32>
    %reduce_sum3A_15 = vector.extract %reduce_sum3A_14[15] : f32 from vector<16xf32>
    %eq3A = arith.constant 0 : i32
    %eq3A_16 = vector.broadcast %eq3A : i32 to vector<16xi32>
    %eq3A_17 = arith.cmpi eq, %iota3A, %eq3A_16 : vector<16xi32>
    %broadcast_in_dim3A_18 = vector.broadcast %reduce_sum3A_15 : f32 to vector<16xf32>
    %select_n3A = arith.select %eq3A_17, %broadcast_in_dim3A_18, %broadcast_in_dim3A_3 : vector<16xi1>, vector<16xf32>
    %shift_right_arithmetic3A = arith.constant 0 : i32
    %shift_right_arithmetic3A_19 = vector.broadcast %shift_right_arithmetic3A : i32 to vector<16xi32>
    %shift_right_arithmetic3A_20 = arith.shrsi %parallel_loop3A_10#16, %shift_right_arithmetic3A_19 : vector<16xi32>
    %and3A = arith.andi %shift_right_arithmetic3A_20, %broadcast_in_dim3A_12 : vector<16xi32>
    %convert_element_type3A = arith.sitofp %and3A : vector<16xi32> to vector<16xf32>
    %reduce_sum3A_21 = arith.constant true
    %reduce_sum3A_22 = vector.broadcast %reduce_sum3A_21 : i1 to vector<16xi1>
    %reduce_sum3A_23 = tpu.scan <sum>, %convert_element_type3A masked %reduce_sum3A_22 : vector<16xf32>, vector<16xi1> -> vector<16xf32>
    %reduce_sum3A_24 = vector.extract %reduce_sum3A_23[15] : f32 from vector<16xf32>
    %eq3A_25 = arith.constant 0 : i32
    %eq3A_26 = vector.broadcast %eq3A_25 : i32 to vector<16xi32>
    %eq3A_27 = arith.cmpi eq, %iota3A, %eq3A_26 : vector<16xi32>
    %broadcast_in_dim3A_28 = vector.broadcast %reduce_sum3A_24 : f32 to vector<16xf32>
    %select_n3A_29 = arith.select %eq3A_27, %broadcast_in_dim3A_28, %broadcast_in_dim3A_3 : vector<16xi1>, vector<16xf32>
    %reduce_sum3A_30 = arith.constant true
    %reduce_sum3A_31 = vector.broadcast %reduce_sum3A_30 : i1 to vector<16xi1>
    %reduce_sum3A_32 = tpu.scan <sum>, %parallel_loop3A_10#1 masked %reduce_sum3A_31 : vector<16xf32>, vector<16xi1> -> vector<16xf32>
    %reduce_sum3A_33 = vector.extract %reduce_sum3A_32[15] : f32 from vector<16xf32>
    %eq3A_34 = arith.constant 1 : i32
    %eq3A_35 = vector.broadcast %eq3A_34 : i32 to vector<16xi32>
    %eq3A_36 = arith.cmpi eq, %iota3A, %eq3A_35 : vector<16xi32>
    %broadcast_in_dim3A_37 = vector.broadcast %reduce_sum3A_33 : f32 to vector<16xf32>
    %select_n3A_38 = arith.select %eq3A_36, %broadcast_in_dim3A_37, %select_n3A : vector<16xi1>, vector<16xf32>
    %shift_right_arithmetic3A_39 = arith.constant 8 : i32
    %shift_right_arithmetic3A_40 = vector.broadcast %shift_right_arithmetic3A_39 : i32 to vector<16xi32>
    %shift_right_arithmetic3A_41 = arith.shrsi %parallel_loop3A_10#16, %shift_right_arithmetic3A_40 : vector<16xi32>
    %and3A_42 = arith.andi %shift_right_arithmetic3A_41, %broadcast_in_dim3A_12 : vector<16xi32>
    %convert_element_type3A_43 = arith.sitofp %and3A_42 : vector<16xi32> to vector<16xf32>
    %reduce_sum3A_44 = arith.constant true
    %reduce_sum3A_45 = vector.broadcast %reduce_sum3A_44 : i1 to vector<16xi1>
    %reduce_sum3A_46 = tpu.scan <sum>, %convert_element_type3A_43 masked %reduce_sum3A_45 : vector<16xf32>, vector<16xi1> -> vector<16xf32>
    %reduce_sum3A_47 = vector.extract %reduce_sum3A_46[15] : f32 from vector<16xf32>
    %eq3A_48 = arith.constant 1 : i32
    %eq3A_49 = vector.broadcast %eq3A_48 : i32 to vector<16xi32>
    %eq3A_50 = arith.cmpi eq, %iota3A, %eq3A_49 : vector<16xi32>
    %broadcast_in_dim3A_51 = vector.broadcast %reduce_sum3A_47 : f32 to vector<16xf32>
    %select_n3A_52 = arith.select %eq3A_50, %broadcast_in_dim3A_51, %select_n3A_29 : vector<16xi1>, vector<16xf32>
    %reduce_sum3A_53 = arith.constant true
    %reduce_sum3A_54 = vector.broadcast %reduce_sum3A_53 : i1 to vector<16xi1>
    %reduce_sum3A_55 = tpu.scan <sum>, %parallel_loop3A_10#2 masked %reduce_sum3A_54 : vector<16xf32>, vector<16xi1> -> vector<16xf32>
    %reduce_sum3A_56 = vector.extract %reduce_sum3A_55[15] : f32 from vector<16xf32>
    %eq3A_57 = arith.constant 2 : i32
    %eq3A_58 = vector.broadcast %eq3A_57 : i32 to vector<16xi32>
    %eq3A_59 = arith.cmpi eq, %iota3A, %eq3A_58 : vector<16xi32>
    %broadcast_in_dim3A_60 = vector.broadcast %reduce_sum3A_56 : f32 to vector<16xf32>
    %select_n3A_61 = arith.select %eq3A_59, %broadcast_in_dim3A_60, %select_n3A_38 : vector<16xi1>, vector<16xf32>
    %shift_right_arithmetic3A_62 = arith.constant 16 : i32
    %shift_right_arithmetic3A_63 = vector.broadcast %shift_right_arithmetic3A_62 : i32 to vector<16xi32>
    %shift_right_arithmetic3A_64 = arith.shrsi %parallel_loop3A_10#16, %shift_right_arithmetic3A_63 : vector<16xi32>
    %and3A_65 = arith.andi %shift_right_arithmetic3A_64, %broadcast_in_dim3A_12 : vector<16xi32>
    %convert_element_type3A_66 = arith.sitofp %and3A_65 : vector<16xi32> to vector<16xf32>
    %reduce_sum3A_67 = arith.constant true
    %reduce_sum3A_68 = vector.broadcast %reduce_sum3A_67 : i1 to vector<16xi1>
    %reduce_sum3A_69 = tpu.scan <sum>, %convert_element_type3A_66 masked %reduce_sum3A_68 : vector<16xf32>, vector<16xi1> -> vector<16xf32>
    %reduce_sum3A_70 = vector.extract %reduce_sum3A_69[15] : f32 from vector<16xf32>
    %eq3A_71 = arith.constant 2 : i32
    %eq3A_72 = vector.broadcast %eq3A_71 : i32 to vector<16xi32>
    %eq3A_73 = arith.cmpi eq, %iota3A, %eq3A_72 : vector<16xi32>
    %broadcast_in_dim3A_74 = vector.broadcast %reduce_sum3A_70 : f32 to vector<16xf32>
    %select_n3A_75 = arith.select %eq3A_73, %broadcast_in_dim3A_74, %select_n3A_52 : vector<16xi1>, vector<16xf32>
    %reduce_sum3A_76 = arith.constant true
    %reduce_sum3A_77 = vector.broadcast %reduce_sum3A_76 : i1 to vector<16xi1>
    %reduce_sum3A_78 = tpu.scan <sum>, %parallel_loop3A_10#3 masked %reduce_sum3A_77 : vector<16xf32>, vector<16xi1> -> vector<16xf32>
    %reduce_sum3A_79 = vector.extract %reduce_sum3A_78[15] : f32 from vector<16xf32>
    %eq3A_80 = arith.constant 3 : i32
    %eq3A_81 = vector.broadcast %eq3A_80 : i32 to vector<16xi32>
    %eq3A_82 = arith.cmpi eq, %iota3A, %eq3A_81 : vector<16xi32>
    %broadcast_in_dim3A_83 = vector.broadcast %reduce_sum3A_79 : f32 to vector<16xf32>
    %select_n3A_84 = arith.select %eq3A_82, %broadcast_in_dim3A_83, %select_n3A_61 : vector<16xi1>, vector<16xf32>
    %shift_right_arithmetic3A_85 = arith.constant 24 : i32
    %shift_right_arithmetic3A_86 = vector.broadcast %shift_right_arithmetic3A_85 : i32 to vector<16xi32>
    %shift_right_arithmetic3A_87 = arith.shrsi %parallel_loop3A_10#16, %shift_right_arithmetic3A_86 : vector<16xi32>
    %and3A_88 = arith.andi %shift_right_arithmetic3A_87, %broadcast_in_dim3A_12 : vector<16xi32>
    %convert_element_type3A_89 = arith.sitofp %and3A_88 : vector<16xi32> to vector<16xf32>
    %reduce_sum3A_90 = arith.constant true
    %reduce_sum3A_91 = vector.broadcast %reduce_sum3A_90 : i1 to vector<16xi1>
    %reduce_sum3A_92 = tpu.scan <sum>, %convert_element_type3A_89 masked %reduce_sum3A_91 : vector<16xf32>, vector<16xi1> -> vector<16xf32>
    %reduce_sum3A_93 = vector.extract %reduce_sum3A_92[15] : f32 from vector<16xf32>
    %eq3A_94 = arith.constant 3 : i32
    %eq3A_95 = vector.broadcast %eq3A_94 : i32 to vector<16xi32>
    %eq3A_96 = arith.cmpi eq, %iota3A, %eq3A_95 : vector<16xi32>
    %broadcast_in_dim3A_97 = vector.broadcast %reduce_sum3A_93 : f32 to vector<16xf32>
    %select_n3A_98 = arith.select %eq3A_96, %broadcast_in_dim3A_97, %select_n3A_75 : vector<16xi1>, vector<16xf32>
    %reduce_sum3A_99 = arith.constant true
    %reduce_sum3A_100 = vector.broadcast %reduce_sum3A_99 : i1 to vector<16xi1>
    %reduce_sum3A_101 = tpu.scan <sum>, %parallel_loop3A_10#4 masked %reduce_sum3A_100 : vector<16xf32>, vector<16xi1> -> vector<16xf32>
    %reduce_sum3A_102 = vector.extract %reduce_sum3A_101[15] : f32 from vector<16xf32>
    %eq3A_103 = arith.constant 4 : i32
    %eq3A_104 = vector.broadcast %eq3A_103 : i32 to vector<16xi32>
    %eq3A_105 = arith.cmpi eq, %iota3A, %eq3A_104 : vector<16xi32>
    %broadcast_in_dim3A_106 = vector.broadcast %reduce_sum3A_102 : f32 to vector<16xf32>
    %select_n3A_107 = arith.select %eq3A_105, %broadcast_in_dim3A_106, %select_n3A_84 : vector<16xi1>, vector<16xf32>
    %shift_right_arithmetic3A_108 = arith.constant 0 : i32
    %shift_right_arithmetic3A_109 = vector.broadcast %shift_right_arithmetic3A_108 : i32 to vector<16xi32>
    %shift_right_arithmetic3A_110 = arith.shrsi %parallel_loop3A_10#17, %shift_right_arithmetic3A_109 : vector<16xi32>
    %and3A_111 = arith.andi %shift_right_arithmetic3A_110, %broadcast_in_dim3A_12 : vector<16xi32>
    %convert_element_type3A_112 = arith.sitofp %and3A_111 : vector<16xi32> to vector<16xf32>
    %reduce_sum3A_113 = arith.constant true
    %reduce_sum3A_114 = vector.broadcast %reduce_sum3A_113 : i1 to vector<16xi1>
    %reduce_sum3A_115 = tpu.scan <sum>, %convert_element_type3A_112 masked %reduce_sum3A_114 : vector<16xf32>, vector<16xi1> -> vector<16xf32>
    %reduce_sum3A_116 = vector.extract %reduce_sum3A_115[15] : f32 from vector<16xf32>
    %eq3A_117 = arith.constant 4 : i32
    %eq3A_118 = vector.broadcast %eq3A_117 : i32 to vector<16xi32>
    %eq3A_119 = arith.cmpi eq, %iota3A, %eq3A_118 : vector<16xi32>
    %broadcast_in_dim3A_120 = vector.broadcast %reduce_sum3A_116 : f32 to vector<16xf32>
    %select_n3A_121 = arith.select %eq3A_119, %broadcast_in_dim3A_120, %select_n3A_98 : vector<16xi1>, vector<16xf32>
    %reduce_sum3A_122 = arith.constant true
    %reduce_sum3A_123 = vector.broadcast %reduce_sum3A_122 : i1 to vector<16xi1>
    %reduce_sum3A_124 = tpu.scan <sum>, %parallel_loop3A_10#5 masked %reduce_sum3A_123 : vector<16xf32>, vector<16xi1> -> vector<16xf32>
    %reduce_sum3A_125 = vector.extract %reduce_sum3A_124[15] : f32 from vector<16xf32>
    %eq3A_126 = arith.constant 5 : i32
    %eq3A_127 = vector.broadcast %eq3A_126 : i32 to vector<16xi32>
    %eq3A_128 = arith.cmpi eq, %iota3A, %eq3A_127 : vector<16xi32>
    %broadcast_in_dim3A_129 = vector.broadcast %reduce_sum3A_125 : f32 to vector<16xf32>
    %select_n3A_130 = arith.select %eq3A_128, %broadcast_in_dim3A_129, %select_n3A_107 : vector<16xi1>, vector<16xf32>
    %shift_right_arithmetic3A_131 = arith.constant 8 : i32
    %shift_right_arithmetic3A_132 = vector.broadcast %shift_right_arithmetic3A_131 : i32 to vector<16xi32>
    %shift_right_arithmetic3A_133 = arith.shrsi %parallel_loop3A_10#17, %shift_right_arithmetic3A_132 : vector<16xi32>
    %and3A_134 = arith.andi %shift_right_arithmetic3A_133, %broadcast_in_dim3A_12 : vector<16xi32>
    %convert_element_type3A_135 = arith.sitofp %and3A_134 : vector<16xi32> to vector<16xf32>
    %reduce_sum3A_136 = arith.constant true
    %reduce_sum3A_137 = vector.broadcast %reduce_sum3A_136 : i1 to vector<16xi1>
    %reduce_sum3A_138 = tpu.scan <sum>, %convert_element_type3A_135 masked %reduce_sum3A_137 : vector<16xf32>, vector<16xi1> -> vector<16xf32>
    %reduce_sum3A_139 = vector.extract %reduce_sum3A_138[15] : f32 from vector<16xf32>
    %eq3A_140 = arith.constant 5 : i32
    %eq3A_141 = vector.broadcast %eq3A_140 : i32 to vector<16xi32>
    %eq3A_142 = arith.cmpi eq, %iota3A, %eq3A_141 : vector<16xi32>
    %broadcast_in_dim3A_143 = vector.broadcast %reduce_sum3A_139 : f32 to vector<16xf32>
    %select_n3A_144 = arith.select %eq3A_142, %broadcast_in_dim3A_143, %select_n3A_121 : vector<16xi1>, vector<16xf32>
    %reduce_sum3A_145 = arith.constant true
    %reduce_sum3A_146 = vector.broadcast %reduce_sum3A_145 : i1 to vector<16xi1>
    %reduce_sum3A_147 = tpu.scan <sum>, %parallel_loop3A_10#6 masked %reduce_sum3A_146 : vector<16xf32>, vector<16xi1> -> vector<16xf32>
    %reduce_sum3A_148 = vector.extract %reduce_sum3A_147[15] : f32 from vector<16xf32>
    %eq3A_149 = arith.constant 6 : i32
    %eq3A_150 = vector.broadcast %eq3A_149 : i32 to vector<16xi32>
    %eq3A_151 = arith.cmpi eq, %iota3A, %eq3A_150 : vector<16xi32>
    %broadcast_in_dim3A_152 = vector.broadcast %reduce_sum3A_148 : f32 to vector<16xf32>
    %select_n3A_153 = arith.select %eq3A_151, %broadcast_in_dim3A_152, %select_n3A_130 : vector<16xi1>, vector<16xf32>
    %shift_right_arithmetic3A_154 = arith.constant 16 : i32
    %shift_right_arithmetic3A_155 = vector.broadcast %shift_right_arithmetic3A_154 : i32 to vector<16xi32>
    %shift_right_arithmetic3A_156 = arith.shrsi %parallel_loop3A_10#17, %shift_right_arithmetic3A_155 : vector<16xi32>
    %and3A_157 = arith.andi %shift_right_arithmetic3A_156, %broadcast_in_dim3A_12 : vector<16xi32>
    %convert_element_type3A_158 = arith.sitofp %and3A_157 : vector<16xi32> to vector<16xf32>
    %reduce_sum3A_159 = arith.constant true
    %reduce_sum3A_160 = vector.broadcast %reduce_sum3A_159 : i1 to vector<16xi1>
    %reduce_sum3A_161 = tpu.scan <sum>, %convert_element_type3A_158 masked %reduce_sum3A_160 : vector<16xf32>, vector<16xi1> -> vector<16xf32>
    %reduce_sum3A_162 = vector.extract %reduce_sum3A_161[15] : f32 from vector<16xf32>
    %eq3A_163 = arith.constant 6 : i32
    %eq3A_164 = vector.broadcast %eq3A_163 : i32 to vector<16xi32>
    %eq3A_165 = arith.cmpi eq, %iota3A, %eq3A_164 : vector<16xi32>
    %broadcast_in_dim3A_166 = vector.broadcast %reduce_sum3A_162 : f32 to vector<16xf32>
    %select_n3A_167 = arith.select %eq3A_165, %broadcast_in_dim3A_166, %select_n3A_144 : vector<16xi1>, vector<16xf32>
    %reduce_sum3A_168 = arith.constant true
    %reduce_sum3A_169 = vector.broadcast %reduce_sum3A_168 : i1 to vector<16xi1>
    %reduce_sum3A_170 = tpu.scan <sum>, %parallel_loop3A_10#7 masked %reduce_sum3A_169 : vector<16xf32>, vector<16xi1> -> vector<16xf32>
    %reduce_sum3A_171 = vector.extract %reduce_sum3A_170[15] : f32 from vector<16xf32>
    %eq3A_172 = arith.constant 7 : i32
    %eq3A_173 = vector.broadcast %eq3A_172 : i32 to vector<16xi32>
    %eq3A_174 = arith.cmpi eq, %iota3A, %eq3A_173 : vector<16xi32>
    %broadcast_in_dim3A_175 = vector.broadcast %reduce_sum3A_171 : f32 to vector<16xf32>
    %select_n3A_176 = arith.select %eq3A_174, %broadcast_in_dim3A_175, %select_n3A_153 : vector<16xi1>, vector<16xf32>
    %shift_right_arithmetic3A_177 = arith.constant 24 : i32
    %shift_right_arithmetic3A_178 = vector.broadcast %shift_right_arithmetic3A_177 : i32 to vector<16xi32>
    %shift_right_arithmetic3A_179 = arith.shrsi %parallel_loop3A_10#17, %shift_right_arithmetic3A_178 : vector<16xi32>
    %and3A_180 = arith.andi %shift_right_arithmetic3A_179, %broadcast_in_dim3A_12 : vector<16xi32>
    %convert_element_type3A_181 = arith.sitofp %and3A_180 : vector<16xi32> to vector<16xf32>
    %reduce_sum3A_182 = arith.constant true
    %reduce_sum3A_183 = vector.broadcast %reduce_sum3A_182 : i1 to vector<16xi1>
    %reduce_sum3A_184 = tpu.scan <sum>, %convert_element_type3A_181 masked %reduce_sum3A_183 : vector<16xf32>, vector<16xi1> -> vector<16xf32>
    %reduce_sum3A_185 = vector.extract %reduce_sum3A_184[15] : f32 from vector<16xf32>
    %eq3A_186 = arith.constant 7 : i32
    %eq3A_187 = vector.broadcast %eq3A_186 : i32 to vector<16xi32>
    %eq3A_188 = arith.cmpi eq, %iota3A, %eq3A_187 : vector<16xi32>
    %broadcast_in_dim3A_189 = vector.broadcast %reduce_sum3A_185 : f32 to vector<16xf32>
    %select_n3A_190 = arith.select %eq3A_188, %broadcast_in_dim3A_189, %select_n3A_167 : vector<16xi1>, vector<16xf32>
    %reduce_sum3A_191 = arith.constant true
    %reduce_sum3A_192 = vector.broadcast %reduce_sum3A_191 : i1 to vector<16xi1>
    %reduce_sum3A_193 = tpu.scan <sum>, %parallel_loop3A_10#8 masked %reduce_sum3A_192 : vector<16xf32>, vector<16xi1> -> vector<16xf32>
    %reduce_sum3A_194 = vector.extract %reduce_sum3A_193[15] : f32 from vector<16xf32>
    %eq3A_195 = arith.constant 8 : i32
    %eq3A_196 = vector.broadcast %eq3A_195 : i32 to vector<16xi32>
    %eq3A_197 = arith.cmpi eq, %iota3A, %eq3A_196 : vector<16xi32>
    %broadcast_in_dim3A_198 = vector.broadcast %reduce_sum3A_194 : f32 to vector<16xf32>
    %select_n3A_199 = arith.select %eq3A_197, %broadcast_in_dim3A_198, %select_n3A_176 : vector<16xi1>, vector<16xf32>
    %shift_right_arithmetic3A_200 = arith.constant 0 : i32
    %shift_right_arithmetic3A_201 = vector.broadcast %shift_right_arithmetic3A_200 : i32 to vector<16xi32>
    %shift_right_arithmetic3A_202 = arith.shrsi %parallel_loop3A_10#18, %shift_right_arithmetic3A_201 : vector<16xi32>
    %and3A_203 = arith.andi %shift_right_arithmetic3A_202, %broadcast_in_dim3A_12 : vector<16xi32>
    %convert_element_type3A_204 = arith.sitofp %and3A_203 : vector<16xi32> to vector<16xf32>
    %reduce_sum3A_205 = arith.constant true
    %reduce_sum3A_206 = vector.broadcast %reduce_sum3A_205 : i1 to vector<16xi1>
    %reduce_sum3A_207 = tpu.scan <sum>, %convert_element_type3A_204 masked %reduce_sum3A_206 : vector<16xf32>, vector<16xi1> -> vector<16xf32>
    %reduce_sum3A_208 = vector.extract %reduce_sum3A_207[15] : f32 from vector<16xf32>
    %eq3A_209 = arith.constant 8 : i32
    %eq3A_210 = vector.broadcast %eq3A_209 : i32 to vector<16xi32>
    %eq3A_211 = arith.cmpi eq, %iota3A, %eq3A_210 : vector<16xi32>
    %broadcast_in_dim3A_212 = vector.broadcast %reduce_sum3A_208 : f32 to vector<16xf32>
    %select_n3A_213 = arith.select %eq3A_211, %broadcast_in_dim3A_212, %select_n3A_190 : vector<16xi1>, vector<16xf32>
    %reduce_sum3A_214 = arith.constant true
    %reduce_sum3A_215 = vector.broadcast %reduce_sum3A_214 : i1 to vector<16xi1>
    %reduce_sum3A_216 = tpu.scan <sum>, %parallel_loop3A_10#9 masked %reduce_sum3A_215 : vector<16xf32>, vector<16xi1> -> vector<16xf32>
    %reduce_sum3A_217 = vector.extract %reduce_sum3A_216[15] : f32 from vector<16xf32>
    %eq3A_218 = arith.constant 9 : i32
    %eq3A_219 = vector.broadcast %eq3A_218 : i32 to vector<16xi32>
    %eq3A_220 = arith.cmpi eq, %iota3A, %eq3A_219 : vector<16xi32>
    %broadcast_in_dim3A_221 = vector.broadcast %reduce_sum3A_217 : f32 to vector<16xf32>
    %select_n3A_222 = arith.select %eq3A_220, %broadcast_in_dim3A_221, %select_n3A_199 : vector<16xi1>, vector<16xf32>
    %shift_right_arithmetic3A_223 = arith.constant 8 : i32
    %shift_right_arithmetic3A_224 = vector.broadcast %shift_right_arithmetic3A_223 : i32 to vector<16xi32>
    %shift_right_arithmetic3A_225 = arith.shrsi %parallel_loop3A_10#18, %shift_right_arithmetic3A_224 : vector<16xi32>
    %and3A_226 = arith.andi %shift_right_arithmetic3A_225, %broadcast_in_dim3A_12 : vector<16xi32>
    %convert_element_type3A_227 = arith.sitofp %and3A_226 : vector<16xi32> to vector<16xf32>
    %reduce_sum3A_228 = arith.constant true
    %reduce_sum3A_229 = vector.broadcast %reduce_sum3A_228 : i1 to vector<16xi1>
    %reduce_sum3A_230 = tpu.scan <sum>, %convert_element_type3A_227 masked %reduce_sum3A_229 : vector<16xf32>, vector<16xi1> -> vector<16xf32>
    %reduce_sum3A_231 = vector.extract %reduce_sum3A_230[15] : f32 from vector<16xf32>
    %eq3A_232 = arith.constant 9 : i32
    %eq3A_233 = vector.broadcast %eq3A_232 : i32 to vector<16xi32>
    %eq3A_234 = arith.cmpi eq, %iota3A, %eq3A_233 : vector<16xi32>
    %broadcast_in_dim3A_235 = vector.broadcast %reduce_sum3A_231 : f32 to vector<16xf32>
    %select_n3A_236 = arith.select %eq3A_234, %broadcast_in_dim3A_235, %select_n3A_213 : vector<16xi1>, vector<16xf32>
    %reduce_sum3A_237 = arith.constant true
    %reduce_sum3A_238 = vector.broadcast %reduce_sum3A_237 : i1 to vector<16xi1>
    %reduce_sum3A_239 = tpu.scan <sum>, %parallel_loop3A_10#10 masked %reduce_sum3A_238 : vector<16xf32>, vector<16xi1> -> vector<16xf32>
    %reduce_sum3A_240 = vector.extract %reduce_sum3A_239[15] : f32 from vector<16xf32>
    %eq3A_241 = arith.constant 10 : i32
    %eq3A_242 = vector.broadcast %eq3A_241 : i32 to vector<16xi32>
    %eq3A_243 = arith.cmpi eq, %iota3A, %eq3A_242 : vector<16xi32>
    %broadcast_in_dim3A_244 = vector.broadcast %reduce_sum3A_240 : f32 to vector<16xf32>
    %select_n3A_245 = arith.select %eq3A_243, %broadcast_in_dim3A_244, %select_n3A_222 : vector<16xi1>, vector<16xf32>
    %shift_right_arithmetic3A_246 = arith.constant 16 : i32
    %shift_right_arithmetic3A_247 = vector.broadcast %shift_right_arithmetic3A_246 : i32 to vector<16xi32>
    %shift_right_arithmetic3A_248 = arith.shrsi %parallel_loop3A_10#18, %shift_right_arithmetic3A_247 : vector<16xi32>
    %and3A_249 = arith.andi %shift_right_arithmetic3A_248, %broadcast_in_dim3A_12 : vector<16xi32>
    %convert_element_type3A_250 = arith.sitofp %and3A_249 : vector<16xi32> to vector<16xf32>
    %reduce_sum3A_251 = arith.constant true
    %reduce_sum3A_252 = vector.broadcast %reduce_sum3A_251 : i1 to vector<16xi1>
    %reduce_sum3A_253 = tpu.scan <sum>, %convert_element_type3A_250 masked %reduce_sum3A_252 : vector<16xf32>, vector<16xi1> -> vector<16xf32>
    %reduce_sum3A_254 = vector.extract %reduce_sum3A_253[15] : f32 from vector<16xf32>
    %eq3A_255 = arith.constant 10 : i32
    %eq3A_256 = vector.broadcast %eq3A_255 : i32 to vector<16xi32>
    %eq3A_257 = arith.cmpi eq, %iota3A, %eq3A_256 : vector<16xi32>
    %broadcast_in_dim3A_258 = vector.broadcast %reduce_sum3A_254 : f32 to vector<16xf32>
    %select_n3A_259 = arith.select %eq3A_257, %broadcast_in_dim3A_258, %select_n3A_236 : vector<16xi1>, vector<16xf32>
    %reduce_sum3A_260 = arith.constant true
    %reduce_sum3A_261 = vector.broadcast %reduce_sum3A_260 : i1 to vector<16xi1>
    %reduce_sum3A_262 = tpu.scan <sum>, %parallel_loop3A_10#11 masked %reduce_sum3A_261 : vector<16xf32>, vector<16xi1> -> vector<16xf32>
    %reduce_sum3A_263 = vector.extract %reduce_sum3A_262[15] : f32 from vector<16xf32>
    %eq3A_264 = arith.constant 11 : i32
    %eq3A_265 = vector.broadcast %eq3A_264 : i32 to vector<16xi32>
    %eq3A_266 = arith.cmpi eq, %iota3A, %eq3A_265 : vector<16xi32>
    %broadcast_in_dim3A_267 = vector.broadcast %reduce_sum3A_263 : f32 to vector<16xf32>
    %select_n3A_268 = arith.select %eq3A_266, %broadcast_in_dim3A_267, %select_n3A_245 : vector<16xi1>, vector<16xf32>
    %shift_right_arithmetic3A_269 = arith.constant 24 : i32
    %shift_right_arithmetic3A_270 = vector.broadcast %shift_right_arithmetic3A_269 : i32 to vector<16xi32>
    %shift_right_arithmetic3A_271 = arith.shrsi %parallel_loop3A_10#18, %shift_right_arithmetic3A_270 : vector<16xi32>
    %and3A_272 = arith.andi %shift_right_arithmetic3A_271, %broadcast_in_dim3A_12 : vector<16xi32>
    %convert_element_type3A_273 = arith.sitofp %and3A_272 : vector<16xi32> to vector<16xf32>
    %reduce_sum3A_274 = arith.constant true
    %reduce_sum3A_275 = vector.broadcast %reduce_sum3A_274 : i1 to vector<16xi1>
    %reduce_sum3A_276 = tpu.scan <sum>, %convert_element_type3A_273 masked %reduce_sum3A_275 : vector<16xf32>, vector<16xi1> -> vector<16xf32>
    %reduce_sum3A_277 = vector.extract %reduce_sum3A_276[15] : f32 from vector<16xf32>
    %eq3A_278 = arith.constant 11 : i32
    %eq3A_279 = vector.broadcast %eq3A_278 : i32 to vector<16xi32>
    %eq3A_280 = arith.cmpi eq, %iota3A, %eq3A_279 : vector<16xi32>
    %broadcast_in_dim3A_281 = vector.broadcast %reduce_sum3A_277 : f32 to vector<16xf32>
    %select_n3A_282 = arith.select %eq3A_280, %broadcast_in_dim3A_281, %select_n3A_259 : vector<16xi1>, vector<16xf32>
    %reduce_sum3A_283 = arith.constant true
    %reduce_sum3A_284 = vector.broadcast %reduce_sum3A_283 : i1 to vector<16xi1>
    %reduce_sum3A_285 = tpu.scan <sum>, %parallel_loop3A_10#12 masked %reduce_sum3A_284 : vector<16xf32>, vector<16xi1> -> vector<16xf32>
    %reduce_sum3A_286 = vector.extract %reduce_sum3A_285[15] : f32 from vector<16xf32>
    %eq3A_287 = arith.constant 12 : i32
    %eq3A_288 = vector.broadcast %eq3A_287 : i32 to vector<16xi32>
    %eq3A_289 = arith.cmpi eq, %iota3A, %eq3A_288 : vector<16xi32>
    %broadcast_in_dim3A_290 = vector.broadcast %reduce_sum3A_286 : f32 to vector<16xf32>
    %select_n3A_291 = arith.select %eq3A_289, %broadcast_in_dim3A_290, %select_n3A_268 : vector<16xi1>, vector<16xf32>
    %shift_right_arithmetic3A_292 = arith.constant 0 : i32
    %shift_right_arithmetic3A_293 = vector.broadcast %shift_right_arithmetic3A_292 : i32 to vector<16xi32>
    %shift_right_arithmetic3A_294 = arith.shrsi %parallel_loop3A_10#19, %shift_right_arithmetic3A_293 : vector<16xi32>
    %and3A_295 = arith.andi %shift_right_arithmetic3A_294, %broadcast_in_dim3A_12 : vector<16xi32>
    %convert_element_type3A_296 = arith.sitofp %and3A_295 : vector<16xi32> to vector<16xf32>
    %reduce_sum3A_297 = arith.constant true
    %reduce_sum3A_298 = vector.broadcast %reduce_sum3A_297 : i1 to vector<16xi1>
    %reduce_sum3A_299 = tpu.scan <sum>, %convert_element_type3A_296 masked %reduce_sum3A_298 : vector<16xf32>, vector<16xi1> -> vector<16xf32>
    %reduce_sum3A_300 = vector.extract %reduce_sum3A_299[15] : f32 from vector<16xf32>
    %eq3A_301 = arith.constant 12 : i32
    %eq3A_302 = vector.broadcast %eq3A_301 : i32 to vector<16xi32>
    %eq3A_303 = arith.cmpi eq, %iota3A, %eq3A_302 : vector<16xi32>
    %broadcast_in_dim3A_304 = vector.broadcast %reduce_sum3A_300 : f32 to vector<16xf32>
    %select_n3A_305 = arith.select %eq3A_303, %broadcast_in_dim3A_304, %select_n3A_282 : vector<16xi1>, vector<16xf32>
    %reduce_sum3A_306 = arith.constant true
    %reduce_sum3A_307 = vector.broadcast %reduce_sum3A_306 : i1 to vector<16xi1>
    %reduce_sum3A_308 = tpu.scan <sum>, %parallel_loop3A_10#13 masked %reduce_sum3A_307 : vector<16xf32>, vector<16xi1> -> vector<16xf32>
    %reduce_sum3A_309 = vector.extract %reduce_sum3A_308[15] : f32 from vector<16xf32>
    %eq3A_310 = arith.constant 13 : i32
    %eq3A_311 = vector.broadcast %eq3A_310 : i32 to vector<16xi32>
    %eq3A_312 = arith.cmpi eq, %iota3A, %eq3A_311 : vector<16xi32>
    %broadcast_in_dim3A_313 = vector.broadcast %reduce_sum3A_309 : f32 to vector<16xf32>
    %select_n3A_314 = arith.select %eq3A_312, %broadcast_in_dim3A_313, %select_n3A_291 : vector<16xi1>, vector<16xf32>
    %shift_right_arithmetic3A_315 = arith.constant 8 : i32
    %shift_right_arithmetic3A_316 = vector.broadcast %shift_right_arithmetic3A_315 : i32 to vector<16xi32>
    %shift_right_arithmetic3A_317 = arith.shrsi %parallel_loop3A_10#19, %shift_right_arithmetic3A_316 : vector<16xi32>
    %and3A_318 = arith.andi %shift_right_arithmetic3A_317, %broadcast_in_dim3A_12 : vector<16xi32>
    %convert_element_type3A_319 = arith.sitofp %and3A_318 : vector<16xi32> to vector<16xf32>
    %reduce_sum3A_320 = arith.constant true
    %reduce_sum3A_321 = vector.broadcast %reduce_sum3A_320 : i1 to vector<16xi1>
    %reduce_sum3A_322 = tpu.scan <sum>, %convert_element_type3A_319 masked %reduce_sum3A_321 : vector<16xf32>, vector<16xi1> -> vector<16xf32>
    %reduce_sum3A_323 = vector.extract %reduce_sum3A_322[15] : f32 from vector<16xf32>
    %eq3A_324 = arith.constant 13 : i32
    %eq3A_325 = vector.broadcast %eq3A_324 : i32 to vector<16xi32>
    %eq3A_326 = arith.cmpi eq, %iota3A, %eq3A_325 : vector<16xi32>
    %broadcast_in_dim3A_327 = vector.broadcast %reduce_sum3A_323 : f32 to vector<16xf32>
    %select_n3A_328 = arith.select %eq3A_326, %broadcast_in_dim3A_327, %select_n3A_305 : vector<16xi1>, vector<16xf32>
    %reduce_sum3A_329 = arith.constant true
    %reduce_sum3A_330 = vector.broadcast %reduce_sum3A_329 : i1 to vector<16xi1>
    %reduce_sum3A_331 = tpu.scan <sum>, %parallel_loop3A_10#14 masked %reduce_sum3A_330 : vector<16xf32>, vector<16xi1> -> vector<16xf32>
    %reduce_sum3A_332 = vector.extract %reduce_sum3A_331[15] : f32 from vector<16xf32>
    %eq3A_333 = arith.constant 14 : i32
    %eq3A_334 = vector.broadcast %eq3A_333 : i32 to vector<16xi32>
    %eq3A_335 = arith.cmpi eq, %iota3A, %eq3A_334 : vector<16xi32>
    %broadcast_in_dim3A_336 = vector.broadcast %reduce_sum3A_332 : f32 to vector<16xf32>
    %select_n3A_337 = arith.select %eq3A_335, %broadcast_in_dim3A_336, %select_n3A_314 : vector<16xi1>, vector<16xf32>
    %shift_right_arithmetic3A_338 = arith.constant 16 : i32
    %shift_right_arithmetic3A_339 = vector.broadcast %shift_right_arithmetic3A_338 : i32 to vector<16xi32>
    %shift_right_arithmetic3A_340 = arith.shrsi %parallel_loop3A_10#19, %shift_right_arithmetic3A_339 : vector<16xi32>
    %and3A_341 = arith.andi %shift_right_arithmetic3A_340, %broadcast_in_dim3A_12 : vector<16xi32>
    %convert_element_type3A_342 = arith.sitofp %and3A_341 : vector<16xi32> to vector<16xf32>
    %reduce_sum3A_343 = arith.constant true
    %reduce_sum3A_344 = vector.broadcast %reduce_sum3A_343 : i1 to vector<16xi1>
    %reduce_sum3A_345 = tpu.scan <sum>, %convert_element_type3A_342 masked %reduce_sum3A_344 : vector<16xf32>, vector<16xi1> -> vector<16xf32>
    %reduce_sum3A_346 = vector.extract %reduce_sum3A_345[15] : f32 from vector<16xf32>
    %eq3A_347 = arith.constant 14 : i32
    %eq3A_348 = vector.broadcast %eq3A_347 : i32 to vector<16xi32>
    %eq3A_349 = arith.cmpi eq, %iota3A, %eq3A_348 : vector<16xi32>
    %broadcast_in_dim3A_350 = vector.broadcast %reduce_sum3A_346 : f32 to vector<16xf32>
    %select_n3A_351 = arith.select %eq3A_349, %broadcast_in_dim3A_350, %select_n3A_328 : vector<16xi1>, vector<16xf32>
    %reduce_sum3A_352 = arith.constant true
    %reduce_sum3A_353 = vector.broadcast %reduce_sum3A_352 : i1 to vector<16xi1>
    %reduce_sum3A_354 = tpu.scan <sum>, %parallel_loop3A_10#15 masked %reduce_sum3A_353 : vector<16xf32>, vector<16xi1> -> vector<16xf32>
    %reduce_sum3A_355 = vector.extract %reduce_sum3A_354[15] : f32 from vector<16xf32>
    %eq3A_356 = arith.constant 15 : i32
    %eq3A_357 = vector.broadcast %eq3A_356 : i32 to vector<16xi32>
    %eq3A_358 = arith.cmpi eq, %iota3A, %eq3A_357 : vector<16xi32>
    %broadcast_in_dim3A_359 = vector.broadcast %reduce_sum3A_355 : f32 to vector<16xf32>
    %select_n3A_360 = arith.select %eq3A_358, %broadcast_in_dim3A_359, %select_n3A_337 : vector<16xi1>, vector<16xf32>
    %shift_right_arithmetic3A_361 = arith.constant 24 : i32
    %shift_right_arithmetic3A_362 = vector.broadcast %shift_right_arithmetic3A_361 : i32 to vector<16xi32>
    %shift_right_arithmetic3A_363 = arith.shrsi %parallel_loop3A_10#19, %shift_right_arithmetic3A_362 : vector<16xi32>
    %and3A_364 = arith.andi %shift_right_arithmetic3A_363, %broadcast_in_dim3A_12 : vector<16xi32>
    %convert_element_type3A_365 = arith.sitofp %and3A_364 : vector<16xi32> to vector<16xf32>
    %reduce_sum3A_366 = arith.constant true
    %reduce_sum3A_367 = vector.broadcast %reduce_sum3A_366 : i1 to vector<16xi1>
    %reduce_sum3A_368 = tpu.scan <sum>, %convert_element_type3A_365 masked %reduce_sum3A_367 : vector<16xf32>, vector<16xi1> -> vector<16xf32>
    %reduce_sum3A_369 = vector.extract %reduce_sum3A_368[15] : f32 from vector<16xf32>
    %eq3A_370 = arith.constant 15 : i32
    %eq3A_371 = vector.broadcast %eq3A_370 : i32 to vector<16xi32>
    %eq3A_372 = arith.cmpi eq, %iota3A, %eq3A_371 : vector<16xi32>
    %broadcast_in_dim3A_373 = vector.broadcast %reduce_sum3A_369 : f32 to vector<16xf32>
    %select_n3A_374 = arith.select %eq3A_372, %broadcast_in_dim3A_373, %select_n3A_351 : vector<16xi1>, vector<16xf32>
    %swap3A = arith.constant 0 : i32
    %swap3A_375 = arith.index_cast %swap3A : i32 to index
    %swap3A_376 = arith.constant 0 : index
    %swap3A_377 = tpu.vector_load %arg11[%swap3A_375, %swap3A_376] {strides = array<i32>} : memref<2x16xf32, #tpu.memory_space<vmem>>, vector<16xf32>,
    tpu.vector_store %arg11[%swap3A_375, %swap3A_376], %select_n3A_360 {strides = array<i32>} : memref<2x16xf32, #tpu.memory_space<vmem>>, vector<16xf32>,
    %swap3A_378 = arith.constant 1 : i32
    %swap3A_379 = arith.index_cast %swap3A_378 : i32 to index
    %swap3A_380 = arith.constant 0 : index
    %swap3A_381 = tpu.vector_load %arg11[%swap3A_379, %swap3A_380] {strides = array<i32>} : memref<2x16xf32, #tpu.memory_space<vmem>>, vector<16xf32>,
    tpu.vector_store %arg11[%swap3A_379, %swap3A_380], %select_n3A_374 {strides = array<i32>} : memref<2x16xf32, #tpu.memory_space<vmem>>, vector<16xf32>,
    %run_scoped3A = arith.constant 0 : i32
    "tpu.region"() ({
      %run_scoped3A_385 = tpu.sem_alloc : memref<!tpu.dma_semaphore, #tpu.memory_space<semaphore_mem>>
      %dma_start3A = tpu.memref_slice %arg3[%run_scoped3A, %mul3A_2] : memref<2x16384xi32, #tpu.memory_space<hbm>> -> memref<1x512xi32, #tpu.memory_space<hbm>>
      %dma_start3A_386 = tpu.memref_squeeze %dma_start3A : memref<1x512xi32, #tpu.memory_space<hbm>> -> memref<512xi32, #tpu.memory_space<hbm>>
      %dma_start3A_387 = tpu.memref_slice %arg3[%run_scoped3A, %mul3A_2] : memref<2x16384xi32, #tpu.memory_space<hbm>> -> memref<1x512xi32, #tpu.memory_space<hbm>>
      %dma_start3A_388 = tpu.memref_squeeze %dma_start3A_387 : memref<1x512xi32, #tpu.memory_space<hbm>> -> memref<512xi32, #tpu.memory_space<hbm>>
      tpu.enqueue_dma source(%arg7 : memref<512xi32, #tpu.memory_space<vmem>>) target(%dma_start3A_388 : memref<512xi32, #tpu.memory_space<hbm>>) target_semaphore(%run_scoped3A_385 : memref<!tpu.dma_semaphore, #tpu.memory_space<semaphore_mem>>)
      %dma_wait3A = tpu.memref_slice %arg3[%run_scoped3A, %mul3A_2] : memref<2x16384xi32, #tpu.memory_space<hbm>> -> memref<1x512xi32, #tpu.memory_space<hbm>>
      %dma_wait3A_389 = tpu.memref_squeeze %dma_wait3A : memref<1x512xi32, #tpu.memory_space<hbm>> -> memref<512xi32, #tpu.memory_space<hbm>>
      %dma_wait3A_390 = tpu.memref_slice %arg3[%run_scoped3A, %mul3A_2] : memref<2x16384xi32, #tpu.memory_space<hbm>> -> memref<1x512xi32, #tpu.memory_space<hbm>>
      %dma_wait3A_391 = tpu.memref_squeeze %dma_wait3A_390 : memref<1x512xi32, #tpu.memory_space<hbm>> -> memref<512xi32, #tpu.memory_space<hbm>>
      tpu.wait_dma2 semaphore(%run_scoped3A_385 : memref<!tpu.dma_semaphore, #tpu.memory_space<semaphore_mem>>) src(%arg7 : memref<512xi32, #tpu.memory_space<vmem>>) dst(%dma_wait3A_391 : memref<512xi32, #tpu.memory_space<hbm>>)
      tpu.yield
    }) : () -> ()
    %run_scoped3A_382 = arith.constant 1 : i32
    "tpu.region"() ({
      %run_scoped3A_385 = tpu.sem_alloc : memref<!tpu.dma_semaphore, #tpu.memory_space<semaphore_mem>>
      %dma_start3A = tpu.memref_slice %arg3[%run_scoped3A_382, %mul3A_2] : memref<2x16384xi32, #tpu.memory_space<hbm>> -> memref<1x512xi32, #tpu.memory_space<hbm>>
      %dma_start3A_386 = tpu.memref_squeeze %dma_start3A : memref<1x512xi32, #tpu.memory_space<hbm>> -> memref<512xi32, #tpu.memory_space<hbm>>
      %dma_start3A_387 = tpu.memref_slice %arg3[%run_scoped3A_382, %mul3A_2] : memref<2x16384xi32, #tpu.memory_space<hbm>> -> memref<1x512xi32, #tpu.memory_space<hbm>>
      %dma_start3A_388 = tpu.memref_squeeze %dma_start3A_387 : memref<1x512xi32, #tpu.memory_space<hbm>> -> memref<512xi32, #tpu.memory_space<hbm>>
      tpu.enqueue_dma source(%arg8 : memref<512xi32, #tpu.memory_space<vmem>>) target(%dma_start3A_388 : memref<512xi32, #tpu.memory_space<hbm>>) target_semaphore(%run_scoped3A_385 : memref<!tpu.dma_semaphore, #tpu.memory_space<semaphore_mem>>)
      %dma_wait3A = tpu.memref_slice %arg3[%run_scoped3A_382, %mul3A_2] : memref<2x16384xi32, #tpu.memory_space<hbm>> -> memref<1x512xi32, #tpu.memory_space<hbm>>
      %dma_wait3A_389 = tpu.memref_squeeze %dma_wait3A : memref<1x512xi32, #tpu.memory_space<hbm>> -> memref<512xi32, #tpu.memory_space<hbm>>
      %dma_wait3A_390 = tpu.memref_slice %arg3[%run_scoped3A_382, %mul3A_2] : memref<2x16384xi32, #tpu.memory_space<hbm>> -> memref<1x512xi32, #tpu.memory_space<hbm>>
      %dma_wait3A_391 = tpu.memref_squeeze %dma_wait3A_390 : memref<1x512xi32, #tpu.memory_space<hbm>> -> memref<512xi32, #tpu.memory_space<hbm>>
      tpu.wait_dma2 semaphore(%run_scoped3A_385 : memref<!tpu.dma_semaphore, #tpu.memory_space<semaphore_mem>>) src(%arg8 : memref<512xi32, #tpu.memory_space<vmem>>) dst(%dma_wait3A_391 : memref<512xi32, #tpu.memory_space<hbm>>)
      tpu.yield
    }) : () -> ()
    %run_scoped3A_383 = arith.constant 0 : i32
    "tpu.region"() ({
      %run_scoped3A_385 = tpu.sem_alloc : memref<!tpu.dma_semaphore, #tpu.memory_space<semaphore_mem>>
      %dma_start3A = tpu.memref_slice %arg4[%run_scoped3A_383, %mul3A_2] : memref<2x16384xf32, #tpu.memory_space<hbm>> -> memref<1x512xf32, #tpu.memory_space<hbm>>
      %dma_start3A_386 = tpu.memref_squeeze %dma_start3A : memref<1x512xf32, #tpu.memory_space<hbm>> -> memref<512xf32, #tpu.memory_space<hbm>>
      %dma_start3A_387 = tpu.memref_slice %arg4[%run_scoped3A_383, %mul3A_2] : memref<2x16384xf32, #tpu.memory_space<hbm>> -> memref<1x512xf32, #tpu.memory_space<hbm>>
      %dma_start3A_388 = tpu.memref_squeeze %dma_start3A_387 : memref<1x512xf32, #tpu.memory_space<hbm>> -> memref<512xf32, #tpu.memory_space<hbm>>
      tpu.enqueue_dma source(%arg9 : memref<512xf32, #tpu.memory_space<vmem>>) target(%dma_start3A_388 : memref<512xf32, #tpu.memory_space<hbm>>) target_semaphore(%run_scoped3A_385 : memref<!tpu.dma_semaphore, #tpu.memory_space<semaphore_mem>>)
      %dma_wait3A = tpu.memref_slice %arg4[%run_scoped3A_383, %mul3A_2] : memref<2x16384xf32, #tpu.memory_space<hbm>> -> memref<1x512xf32, #tpu.memory_space<hbm>>
      %dma_wait3A_389 = tpu.memref_squeeze %dma_wait3A : memref<1x512xf32, #tpu.memory_space<hbm>> -> memref<512xf32, #tpu.memory_space<hbm>>
      %dma_wait3A_390 = tpu.memref_slice %arg4[%run_scoped3A_383, %mul3A_2] : memref<2x16384xf32, #tpu.memory_space<hbm>> -> memref<1x512xf32, #tpu.memory_space<hbm>>
      %dma_wait3A_391 = tpu.memref_squeeze %dma_wait3A_390 : memref<1x512xf32, #tpu.memory_space<hbm>> -> memref<512xf32, #tpu.memory_space<hbm>>
      tpu.wait_dma2 semaphore(%run_scoped3A_385 : memref<!tpu.dma_semaphore, #tpu.memory_space<semaphore_mem>>) src(%arg9 : memref<512xf32, #tpu.memory_space<vmem>>) dst(%dma_wait3A_391 : memref<512xf32, #tpu.memory_space<hbm>>)
      tpu.yield
    }) : () -> ()
    %run_scoped3A_384 = arith.constant 1 : i32
    "tpu.region"() ({
      %run_scoped3A_385 = tpu.sem_alloc : memref<!tpu.dma_semaphore, #tpu.memory_space<semaphore_mem>>
      %dma_start3A = tpu.memref_slice %arg4[%run_scoped3A_384, %mul3A_2] : memref<2x16384xf32, #tpu.memory_space<hbm>> -> memref<1x512xf32, #tpu.memory_space<hbm>>
      %dma_start3A_386 = tpu.memref_squeeze %dma_start3A : memref<1x512xf32, #tpu.memory_space<hbm>> -> memref<512xf32, #tpu.memory_space<hbm>>
      %dma_start3A_387 = tpu.memref_slice %arg4[%run_scoped3A_384, %mul3A_2] : memref<2x16384xf32, #tpu.memory_space<hbm>> -> memref<1x512xf32, #tpu.memory_space<hbm>>
      %dma_start3A_388 = tpu.memref_squeeze %dma_start3A_387 : memref<1x512xf32, #tpu.memory_space<hbm>> -> memref<512xf32, #tpu.memory_space<hbm>>
      tpu.enqueue_dma source(%arg10 : memref<512xf32, #tpu.memory_space<vmem>>) target(%dma_start3A_388 : memref<512xf32, #tpu.memory_space<hbm>>) target_semaphore(%run_scoped3A_385 : memref<!tpu.dma_semaphore, #tpu.memory_space<semaphore_mem>>)
      %dma_wait3A = tpu.memref_slice %arg4[%run_scoped3A_384, %mul3A_2] : memref<2x16384xf32, #tpu.memory_space<hbm>> -> memref<1x512xf32, #tpu.memory_space<hbm>>
      %dma_wait3A_389 = tpu.memref_squeeze %dma_wait3A : memref<1x512xf32, #tpu.memory_space<hbm>> -> memref<512xf32, #tpu.memory_space<hbm>>
      %dma_wait3A_390 = tpu.memref_slice %arg4[%run_scoped3A_384, %mul3A_2] : memref<2x16384xf32, #tpu.memory_space<hbm>> -> memref<1x512xf32, #tpu.memory_space<hbm>>
      %dma_wait3A_391 = tpu.memref_squeeze %dma_wait3A_390 : memref<1x512xf32, #tpu.memory_space<hbm>> -> memref<512xf32, #tpu.memory_space<hbm>>
      tpu.wait_dma2 semaphore(%run_scoped3A_385 : memref<!tpu.dma_semaphore, #tpu.memory_space<semaphore_mem>>) src(%arg10 : memref<512xf32, #tpu.memory_space<vmem>>) dst(%dma_wait3A_391 : memref<512xf32, #tpu.memory_space<hbm>>)
      tpu.yield
    }) : () -> ()
    "tpu.region"() ({
      %run_scoped3A_385 = tpu.sem_alloc : memref<!tpu.dma_semaphore, #tpu.memory_space<semaphore_mem>>
      %dma_start3A = arith.constant 0 : i32
      %dma_start3A_386 = arith.constant 0 : i32
      %dma_start3A_387 = tpu.memref_slice %arg5[%add3A, %dma_start3A, %dma_start3A_386] : memref<32x2x16xf32, #tpu.memory_space<hbm>> -> memref<1x2x16xf32, #tpu.memory_space<hbm>>
      %dma_start3A_388 = tpu.memref_squeeze %dma_start3A_387 : memref<1x2x16xf32, #tpu.memory_space<hbm>> -> memref<2x16xf32, #tpu.memory_space<hbm>>
      %dma_start3A_389 = arith.constant 0 : i32
      %dma_start3A_390 = arith.constant 0 : i32
      %dma_start3A_391 = tpu.memref_slice %arg5[%add3A, %dma_start3A_389, %dma_start3A_390] : memref<32x2x16xf32, #tpu.memory_space<hbm>> -> memref<1x2x16xf32, #tpu.memory_space<hbm>>
      %dma_start3A_392 = tpu.memref_squeeze %dma_start3A_391 : memref<1x2x16xf32, #tpu.memory_space<hbm>> -> memref<2x16xf32, #tpu.memory_space<hbm>>
      tpu.enqueue_dma source(%arg11 : memref<2x16xf32, #tpu.memory_space<vmem>>) target(%dma_start3A_392 : memref<2x16xf32, #tpu.memory_space<hbm>>) target_semaphore(%run_scoped3A_385 : memref<!tpu.dma_semaphore, #tpu.memory_space<semaphore_mem>>)
      %dma_wait3A = arith.constant 0 : i32
      %dma_wait3A_393 = arith.constant 0 : i32
      %dma_wait3A_394 = tpu.memref_slice %arg5[%add3A, %dma_wait3A, %dma_wait3A_393] : memref<32x2x16xf32, #tpu.memory_space<hbm>> -> memref<1x2x16xf32, #tpu.memory_space<hbm>>
      %dma_wait3A_395 = tpu.memref_squeeze %dma_wait3A_394 : memref<1x2x16xf32, #tpu.memory_space<hbm>> -> memref<2x16xf32, #tpu.memory_space<hbm>>
      %dma_wait3A_396 = arith.constant 0 : i32
      %dma_wait3A_397 = arith.constant 0 : i32
      %dma_wait3A_398 = tpu.memref_slice %arg5[%add3A, %dma_wait3A_396, %dma_wait3A_397] : memref<32x2x16xf32, #tpu.memory_space<hbm>> -> memref<1x2x16xf32, #tpu.memory_space<hbm>>
      %dma_wait3A_399 = tpu.memref_squeeze %dma_wait3A_398 : memref<1x2x16xf32, #tpu.memory_space<hbm>> -> memref<2x16xf32, #tpu.memory_space<hbm>>
      tpu.wait_dma2 semaphore(%run_scoped3A_385 : memref<!tpu.dma_semaphore, #tpu.memory_space<semaphore_mem>>) src(%arg11 : memref<2x16xf32, #tpu.memory_space<vmem>>) dst(%dma_wait3A_399 : memref<2x16xf32, #tpu.memory_space<hbm>>)
      tpu.yield
    }) : () -> ()
    return
  }
}

module attributes {stable_mosaic.version = 14 : i64} {
  func.func @_logits_body(%arg0: i32, %arg1: i32, %arg2: memref<1x1024x2048xf32, #tpu.memory_space<vmem>>, %arg3: memref<4x2048xf32, #tpu.memory_space<vmem>>, %arg4: memref<16x2048xf32, #tpu.memory_space<vmem>>, %arg5: memref<2048x2048xf32, #tpu.memory_space<vmem>>, %arg6: memref<16x1024xf32, #tpu.memory_space<vmem>>, %arg7: memref<4x2048xf32, #tpu.memory_space<vmem>>) attributes {dimension_semantics = [#tpu.dimension_semantics<arbitrary>, #tpu.dimension_semantics<arbitrary>], iteration_bounds = array<i64: 4, 4>, scalar_prefetch = 0 : i64, scratch_operands = 1 : i64, tpu.core_type = #tpu.core_type<tc>, window_params = [{transform_indices = @transform_0, window_bounds = array<i64: 1, 1024, 2048>}, {pipeline_mode = #tpu.pipeline_mode<synchronous>, transform_indices = @transform_1, window_bounds = array<i64: 4, 2048>}, {pipeline_mode = #tpu.pipeline_mode<synchronous>, transform_indices = @transform_2, window_bounds = array<i64: 16, 2048>}, {pipeline_mode = #tpu.pipeline_mode<synchronous>, transform_indices = @transform_3, window_bounds = array<i64: 2048, 2048>}, {transform_indices = @transform_4, window_bounds = array<i64: 16, 1024>}]} {
    %eq3A = arith.constant 0 : i32
    %eq3A_0 = arith.cmpi eq, %arg0, %eq3A : i32
    %eq3A_1 = arith.constant 0 : i32
    %eq3A_2 = arith.cmpi eq, %arg1, %eq3A_1 : i32
    %and3A = arith.andi %eq3A_0, %eq3A_2 : i1
    %convert_element_type3A = arith.extui %and3A : i1 to i32
    %cond3A = arith.constant 0 : i32
    %cond3A_3 = arith.cmpi ne, %convert_element_type3A, %cond3A : i32
    scf.if %cond3A_3 {
      %get3A_18 = arith.constant 0 : index
      %get3A_19 = arith.constant 0 : index
      %get3A_20 = vector.load %arg3[%get3A_18, %get3A_19] : memref<4x2048xf32, #tpu.memory_space<vmem>>, vector<4x2048xf32>
      %get3A_21 = arith.constant 0 : index
      %get3A_22 = arith.constant 0 : index
      %get3A_23 = vector.load %arg5[%get3A_21, %get3A_22] : memref<2048x2048xf32, #tpu.memory_space<vmem>>, vector<2048x2048xf32>
      %dot_general3A_24 = arith.constant dense<0.000000e+00> : vector<4x2048xf32>
      %dot_general3A_25 = tpu.matmul %get3A_20, %get3A_23, %dot_general3A_24 {dimension_numbers = #tpu.dot_dimension_numbers<[1], [1], [0], [0], [0, 0, 1, 0], [], []>, transpose_lhs_hint = false} : vector<4x2048xf32>, vector<2048x2048xf32>, vector<4x2048xf32> -> vector<4x2048xf32>
      %swap3A_26 = arith.constant 0 : index
      %swap3A_27 = arith.constant 0 : index
      %swap3A_28 = vector.load %arg7[%swap3A_26, %swap3A_27] : memref<4x2048xf32, #tpu.memory_space<vmem>>, vector<4x2048xf32>
      tpu.vector_store %arg7[%swap3A_26, %swap3A_27], %dot_general3A_25 {strides = array<i32>} : memref<4x2048xf32, #tpu.memory_space<vmem>>, vector<4x2048xf32>,
    } else {
    }
    %get3A = arith.constant 0 : index
    %get3A_4 = arith.constant 0 : index
    %get3A_5 = arith.constant 0 : index
    %get3A_6 = vector.load %arg2[%get3A, %get3A_4, %get3A_5] : memref<1x1024x2048xf32, #tpu.memory_space<vmem>>, vector<1x1024x2048xf32>
    %get3A_7 = vector.shape_cast %get3A_6 : vector<1x1024x2048xf32> to vector<1024x2048xf32>
    %get3A_8 = arith.index_cast %arg0 : i32 to index
    %get3A_9 = arith.constant 0 : index
    %get3A_10 = vector.load %arg7[%get3A_8, %get3A_9] : memref<4x2048xf32, #tpu.memory_space<vmem>>, vector<1x2048xf32>
    %add3A = vector.broadcast %get3A_10 : vector<1x2048xf32> to vector<1024x2048xf32>
    %add3A_11 = arith.addf %get3A_7, %add3A : vector<1024x2048xf32>
    %get3A_12 = arith.constant 0 : index
    %get3A_13 = arith.constant 0 : index
    %get3A_14 = vector.load %arg4[%get3A_12, %get3A_13] : memref<16x2048xf32, #tpu.memory_space<vmem>>, vector<16x2048xf32>
    %dot_general3A = arith.constant dense<0.000000e+00> : vector<1024x16xf32>
    %dot_general3A_15 = tpu.matmul %add3A_11, %get3A_14, %dot_general3A {dimension_numbers = #tpu.dot_dimension_numbers<[1], [1], [0], [0], [0, 0, 1, 0], [], []>, transpose_lhs_hint = false} : vector<1024x2048xf32>, vector<16x2048xf32>, vector<1024x16xf32> -> vector<1024x16xf32>
    %transpose3A = tpu.transpose %dot_general3A_15, [1, 0] : vector<1024x16xf32> -> vector<16x1024xf32>
    %swap3A = arith.constant 0 : index
    %swap3A_16 = arith.constant 0 : index
    %swap3A_17 = vector.load %arg6[%swap3A, %swap3A_16] : memref<16x1024xf32, #tpu.memory_space<vmem>>, vector<16x1024xf32>
    tpu.vector_store %arg6[%swap3A, %swap3A_16], %transpose3A {strides = array<i32>} : memref<16x1024xf32, #tpu.memory_space<vmem>>, vector<16x1024xf32>,
    return
  }
  func.func @transform_0(%arg0: i32, %arg1: i32) -> (i32, i32, i32) {
    %c0_i32 = arith.constant 0 : i32
    %c0_i32_0 = arith.constant 0 : i32
    return %arg0, %arg1, %c0_i32 : i32, i32, i32
  }
  func.func @transform_1(%arg0: i32, %arg1: i32) -> (i32, i32) {
    %c0_i32 = arith.constant 0 : i32
    %c0_i32_0 = arith.constant 0 : i32
    %c0_i32_1 = arith.constant 0 : i32
    return %c0_i32, %c0_i32_0 : i32, i32
  }
  func.func @transform_2(%arg0: i32, %arg1: i32) -> (i32, i32) {
    %c0_i32 = arith.constant 0 : i32
    %c0_i32_0 = arith.constant 0 : i32
    %c0_i32_1 = arith.constant 0 : i32
    return %c0_i32, %c0_i32_0 : i32, i32
  }
  func.func @transform_3(%arg0: i32, %arg1: i32) -> (i32, i32) {
    %c0_i32 = arith.constant 0 : i32
    %c0_i32_0 = arith.constant 0 : i32
    %c0_i32_1 = arith.constant 0 : i32
    return %c0_i32, %c0_i32_0 : i32, i32
  }
  func.func @transform_4(%arg0: i32, %arg1: i32) -> (i32, i32) {
    %mul3A = arith.constant 4 : i32
    %mul3A_0 = arith.muli %arg0, %mul3A : i32
    %add3A = arith.addi %mul3A_0, %arg1 : i32
    %c0_i32 = arith.constant 0 : i32
    %c0_i32_1 = arith.constant 0 : i32
    return %c0_i32, %add3A : i32, i32
  }
}

</mosaic_0001>

<sc_bundles>
// kernel: kernel.4.cloned.1.call-start
scs
__scs_entry_jumppad:
0x0: {  	(pc) =	sbr.rel $0x88, $3  }
0x1: {  	(tag) =	ssettag $0x0;
	lr =	simm.s32 $0x1  }
0x2: {  	[smem:$0x3F9D] =	sst lr;
	_ =	strace $0xD0000000  }
0x3: {  	_ = 	snop  }
0x4: {  	_ = 	snop  }
0x5: {  	_ = 	snop  }
0x6: {  	_ = 	snop  }
0x7: {  	_ = 	snop  }
__scs_overlays_trampoline_lowered:
0x8: {  	[smem:$0x3FAC] =	sst s0  }
0x9: {  	[smem:$0x3FAD] =	sst s1  }
0xa: {  	[smem:$0x3FAE] =	sst s2  }
0xb: {  	[smem:$0x3FAF] =	sst s3  }
0xc: {  	[smem:$0x3FB0] =	sst s4  }
0xd: {  	[smem:$0x3FB1] =	sst s5  }
0xe: {  	[smem:$0x3FB2] =	sst s6  }
0xf: {  	[smem:$0x3FB3] =	sst s7  }
0x10: {  	[smem:$0x3FB4] =	sst s8  }
0x11: {  	[smem:$0x3FB5] =	sst s9;
	s0 =	simm.s32 @!p0 $0x0  }
0x12: {  	s1 =	sld [smem:$0x3F9B];
	s0 =	simm.s32 @p0 $0x1  }
0x13: {  	[smem:$0x3FB6] =	sst s0;
	s0 =	simm.s32 @!p1 $0x0  }
0x14: {  	s2 =	sld [smem:$0x3F9A];
	s0 =	simm.s32 @p1 $0x1  }
0x15: {  	[smem:$0x3FB7] =	sst s0;
	s0 =	simm.s32 @!p2 $0x0  }
0x16: {  	s3 =	sld [smem:$0x3FDB];
	s0 =	simm.s32 @p2 $0x1  }
0x17: {  	s4 =	simm.s32 $0x1BF5;
	[smem:$0x3FB9] =	sst s0  }
0x18: {  	s0 =	sld [smem:$0x3F9C];
	_ =	swait.ge [sflag:s4], $0x0  }
0x19: {  	s7 =	sld [smem:$0x3F9D]  }
0x1a: {  	s8 =	sadd.s32 $0xFFFFE003, lr  }
0x1b: {  	s9 =	sadd.s32 $0xFFFFFEF7, lr;
	s5 =	simm.s32 $0xFFFFFFFF;
	p2 =	slt.u32 s8, $0xFFFFF086  }
0x1c: {  	p1 =	slt.u32 s9, $0xF7A;
	s5 =	simm.s32 @!p2 $0x0  }
0x1d: {  	s5 =	simm.s32 @p1 $0x1;
	p0 =	seq.s32 s7, s2  }
0x1e: {  	s7 =	smul.u32 @!p0 $0xF7A, s2;
	p2 =	seq.s32 @!p0 s5, $0x0  }
0x1f: {  	s9 =	smul.u32 $0xF7A, s1;
	s8 =	simm.s32 @!p0 $0x1BF5;
	p2 =	por !p2, p0  }
0x20: {  	[sflag:s8] =	ssyncset.s32 @!p0 $0xFFFFF086;
	s6 =	sadd.s32 @!p0 s3, s7;
	s7 =	simm.s32 @!p0 $0x108  }
0x21: {  	s3 =	sadd.s32 s3, s9;
	s6 =	sadd.s32 @!p0 $0x88, s6;
	s7 =	simm.s32 @p2 $0x1082  }
0x22: {  	[simem:s7], [sflag:s8] =	dma.local @!p0 [hbm:s6], $0xF7A  }
0x23: {  	s9 =	sor.u32 $0xD0000000, s2;
	s6 =	simm.s32 $0x108;
	_ =	swait.ge @!p0 [sflag:s8], $0x0  }
0x24: {  	s3 =	sadd.s32 $0x88, s3;
	s6 =	simm.s32 @!p1 $0x1082;
	[sflag:s4] =	ssyncset.s32 $0xFFFFF086  }
0x25: {  	[simem:s6], [sflag:s4] =	dma.local [hbm:s3], $0xF7A  }
0x26: {  	[smem:$0x3F9D] =	sst s1;
	(tag) =	ssettag s2;
	_ =	strace s9  }
0x27: {  	s1 =	sld [smem:$0x3FAD]  }
0x28: {  	s2 =	sld [smem:$0x3FAE]  }
0x29: {  	s4 =	sld [smem:$0x3FB0]  }
0x2a: {  	p0 =	seq.s32 s5, $0x0;
	s5 =	sld [smem:$0x3FB1]  }
0x2b: {  	s6 =	sld [smem:$0x3FB2]  }
0x2c: {  	s7 =	sld [smem:$0x3FB3]  }
0x2d: {  	s3 =	simm.s32 $0x108;
	s8 =	sld [smem:$0x3FB4]  }
0x2e: {  	s3 =	simm.s32 @!p0 $0x1082;
	s9 =	sld [smem:$0x3FB5]  }
0x2f: {  	lr =	sadd.s32 s0, s3;
	s0 =	sld [smem:$0x3FAC]  }
0x30: {  	s3 =	sld [smem:$0x3FAF]  }
0x31: {  	[smem:$0x3FB8] =	sst s10  }
0x32: {  	s10 =	sld [smem:$0x3FB6];
	_ =	sdelay $0x3  }
0x33: {  	p0 =	seq.s32 s10, $0x1;
	s10 =	sld [smem:$0x3FB8];
	_ =	sdelay $0x3  }
0x34: {  	[smem:$0x3FB8] =	sst s10  }
0x35: {  	s10 =	sld [smem:$0x3FB7];
	_ =	sdelay $0x3  }
0x36: {  	p1 =	seq.s32 s10, $0x1;
	s10 =	sld [smem:$0x3FB8];
	_ =	sdelay $0x3  }
0x37: {  	[smem:$0x3FB8] =	sst s10  }
0x38: {  	s10 =	sld [smem:$0x3FB9]  }
0x39: {  	_ = 	snop;
	(pc) =	sbr.ind lr, $3  }
0x3a: {  	_ = 	snop  }
0x3b: {  	_ = 	snop  }
0x3c: {  	p2 =	seq.s32 s10, $0x1;
	s10 =	sld [smem:$0x3FB8]  }
0x3d: {  	_ =	shalt  }
0x3e: {  	_ =	shalt  }
0x3f: {  	_ =	shalt  }
0x40: {  	_ =	shalt  }
0x41: {  	_ =	shalt  }
0x42: {  	_ =	shalt  }
0x43: {  	_ =	shalt  }
0x44: {  	_ =	shalt  }
0x45: {  	_ =	shalt  }
0x46: {  	_ =	shalt  }
0x47: {  	_ =	shalt  }
0x48: {  	_ =	shalt  }
0x49: {  	_ =	shalt  }
0x4a: {  	_ =	shalt  }
0x4b: {  	_ =	shalt  }
0x4c: {  	_ =	shalt  }
0x4d: {  	_ =	shalt  }
0x4e: {  	_ =	shalt  }
0x4f: {  	_ =	shalt  }
0x50: {  	_ =	shalt  }
0x51: {  	_ =	shalt  }
0x52: {  	_ =	shalt  }
0x53: {  	_ =	shalt  }
0x54: {  	_ =	shalt  }
0x55: {  	_ =	shalt  }
0x56: {  	_ =	shalt  }
0x57: {  	_ =	shalt  }
0x58: {  	_ =	shalt  }
0x59: {  	_ =	shalt  }
0x5a: {  	_ =	shalt  }
0x5b: {  	_ =	shalt  }
0x5c: {  	_ =	shalt  }
0x5d: {  	_ =	shalt  }
0x5e: {  	_ =	shalt  }
0x5f: {  	_ =	shalt  }
0x60: {  	_ =	shalt  }
0x61: {  	_ =	shalt  }
0x62: {  	_ =	shalt  }
0x63: {  	_ =	shalt  }
0x64: {  	_ =	shalt  }
0x65: {  	_ =	shalt  }
0x66: {  	_ =	shalt  }
0x67: {  	_ =	shalt  }
0x68: {  	_ =	shalt  }
0x69: {  	_ =	shalt  }
0x6a: {  	_ =	shalt  }
0x6b: {  	_ =	shalt  }
0x6c: {  	_ =	shalt  }
0x6d: {  	_ =	shalt  }
0x6e: {  	_ =	shalt  }
0x6f: {  	_ =	shalt  }
0x70: {  	_ =	shalt  }
0x71: {  	_ =	shalt  }
0x72: {  	_ =	shalt  }
0x73: {  	_ =	shalt  }
0x74: {  	_ =	shalt  }
0x75: {  	_ =	shalt  }
0x76: {  	_ =	shalt  }
0x77: {  	_ =	shalt  }
0x78: {  	_ =	shalt  }
0x79: {  	_ =	shalt  }
0x7a: {  	_ =	shalt  }
0x7b: {  	_ =	shalt  }
0x7c: {  	_ =	shalt  }
0x7d: {  	_ =	shalt  }
0x7e: {  	_ =	shalt  }
0x7f: {  	_ =	shalt  }
0x80: {  	_ =	shalt  }
0x81: {  	_ =	shalt  }
0x82: {  	_ =	shalt  }
0x83: {  	_ =	shalt  }
0x84: {  	_ =	shalt  }
0x85: {  	_ =	shalt  }
0x86: {  	_ =	shalt  }
0x87: {  	_ =	shalt  }
.Lfunc_end0:
.L_simem_size_0:
called_computation_lowered:
.L_overlay_start_0:
0x88: {  	s2 =	sld [smem:$0x3FD9]  }
0x89: {  	s3 =	sld [smem:$0x3FFE];
	_ =	sdelay $0x1  }
0x8a: {  	s1 =	srdreg.scid  }
0x8b: {  	s0 =	sand.u32 $0x1, s1  }
0x8c: {  	s14 =	sshll.u32 s0, $0xA;
	s2 =	sadd.s32 s3, s2  }
0x8d: {  	s2 =	sadd.s32 s2, s14  }
0x8e: {  	[smem:$0x3FC4] =	sst s2  }
0x8f: {  	_ = 	snop  }
0x90: {  	s2 =	sld [smem:$0x3FD0];
	_ =	sdelay $0x2  }
0x91: {  	s15 =	simm.s32 $0xA;
	s4 =	simm.s32 $0x10  }
0x92: {  	[smem:s4], [sflag:s15] =	dma.local [hbm:s2], $0x1  }
0x93: {  	_ =	swait.eq [sflag:s15], $0x1  }
0x94: {  	[sflag:s15] =	ssyncset.done $0x0  }
0x95: {  	s16 =	sld [smem:$0x10];
	[sflag:s15] =	ssyncadd.s32 $0xFFFFFFFF  }
0x96: {  	s17 =	sld [smem:$0x11];
	(tm) =	ssettm $0x1  }
0x97: {  	s18 =	sld [smem:$0x3FFB];
	_ =	sdelay $0x3  }
0x98: {  	_ =	strace s18  }
0x99: {  	s4 =	sld [smem:$0x3FFC];
	_ =	sdelay $0x3  }
0x9a: {  	_ =	strace s4  }
0x9b: {  	s4 =	sld [smem:$0x3FFD];
	_ =	sdelay $0x3  }
0x9c: {  	_ =	strace s4  }
0x9d: {  	_ =	strace $0x8FFFFFFF  }
0x9e: {  	s19 =	sld [smem:$0x3FDB];
	_ =	sdelay $0x1  }
0x9f: {  	s5 =	simm.s32 $_scs_section_size  }
0xa0: {  	s6 =	simm.s32 $_size__tile_overlayer_lowered;
	s7 =	simm.s32 $_tile_overlayer_lowered  }
0xa1: {  	s22 =	simm.s32 $0x1BFF;
	s21 =	sshll.u32 s7, $0x1;
	s4 =	sadd.s32 s5, s19  }
0xa2: {  	s8 =	simm.s32 $0x0;
	s20 =	sshll.u32 s6, $0x1;
	s6 =	sadd.s32 s21, s4  }
0xa3: {  	[timem:s8], [sflag:s22] =	dma.local [hbm:s6], s20  }
0xa4: {  	_ =	swait.ge [sflag:s22], s20  }
0xa5: {  	s5 =	ssub.s32 $0x0, s20;
	[sflag:s22] =	ssyncset.done $0x0  }
0xa6: {  	[sflag:s22] =	ssyncadd.s32 s5;
	_ =	sdelay $0x1  }
0xa7: {  	s23 =	simm.s32 $0x1B8B  }
0xa8: {  	_ =	swait.ge [sflag:s23], $0x1  }
0xa9: {  	[sflag:s23] =	ssyncset.done $0x0  }
0xaa: {  	s25 =	simm.s32 $0x1B8E;
	s24 =	sld [smem:$0x3FFE];
	[sflag:s23] =	ssyncadd.s32 $0xFFFFFFFF  }
0xab: {  	s26 =	simm.s32 $execute0_lowered;
	[smem:$0x3FD2] =	sst s25  }
0xac: {  	s6 =	sshll.u32 s26, $0x1;
	_ =	strace $0x80000046;
	[dreg:$0x1] =	wrdreg $0xFFFFFFFF  }
0xad: {  	s28 =	simm.s32 $_size_execute0_lowered;
	s4 =	sadd.s32 s4, s6;
	[dreg:$0x0] =	wrdreg $0x0  }
0xae: {  	s6 =	sshll.u32 s28, $0x1;
	[dreg:$0x2] =	wrdreg s4  }
0xaf: {  	[dreg:$0x3] =	wrdreg s6  }
0xb0: {  	[dreg:$0x4] =	wrdreg $0xC0  }
0xb1: {  	_ =	task [dreg:s8], $0x5FFFF  }
0xb2: {  	[dreg:$0x1] =	wrdreg $0xFFFFFFFF  }
0xb3: {  	[dreg:$0x0] =	wrdreg $0x60  }
0xb4: {  	[dreg:$0x2] =	wrdreg s24  }
0xb5: {  	[dreg:$0x3] =	wrdreg s16  }
0xb6: {  	[dreg:$0x4] =	wrdreg s17  }
0xb7: {  	[dreg:$0x5] =	wrdreg $0x9  }
0xb8: {  	_ =	task.clear_ibuf [dreg:s8], $0x6FFFF;
	_ =	strace $0x90000046  }
0xb9: {  	s29 =	simm.s32 $0x9;
	_ =	strace $0x80000048  }
0xba: {  	_ =	swait.ge [sflag:s29], $0x1  }
0xbb: {  	[sflag:s29] =	ssyncadd.s32 $0xFFFFFFFF  }
0xbc: {  	_ =	strace $0x90000048  }
0xbd: {  	_ =	sfence  }
0xbe: {  	s30 =	sld [smem:$0x0];
	_ =	sdelay $0x2  }
0xbf: {  	s31 =	sshll.u32 s1, $0xD;
	s1 =	sshrl.u32 s1, $0x2  }
0xc0: {  	s3 =	sand.u32 $0x4000, s31;
	s1 =	sadd.s32 s1, s30  }
0xc1: {  	s0 =	sor.u32 s3, s0;
	s1 =	sshll.u32 s1, $0x11  }
0xc2: {  	s0 =	sor.u32 s1, s0  }
0xc3: {  	s0 =	sadd.s32 $0x8F2B, s0  }
0xc4: {  	[sflag:s0] =	ssyncadd.remote.s32 $0x1  }
0xc5: {  	_ =	sfence.sel $0xFFFF  }
0xc6: {  	[dreg:$0x0] =	wrdreg $0xFFFFFFFF;
	(pc) =	sbr.abs _section_cstart, $3  }
0xc7: {  	[dreg:$0x1] =	wrdreg $0xFFFFFFFF  }
0xc8: {  	_ =	task.clear_ibuf [dreg:s8], $0x2FFFF;
	_ =	strace $0x9FFFFFFF  }
0xc9: {  	(tm) =	ssettm $0x7FFFFFFF  }
tec
execute0_lowered:
.L_overlay_start_1:
0x0: {  	(tag) =	ssettag $0x1  }
0x1: {  	s3 =	rddreg [dreg:$0x0]  }
0x2: {  	s5 =	rddreg [dreg:$0x1];
	s1 =	srdreg.scid  }
0x3: {  	s0 =	stileid.u32;
	s7 =	rddreg [dreg:$0x2];
	s2 =	simm.s32 $0x0  }
0x4: {  	s12 =	simm.s32 $0x1;
	s13 =	simm.s32 $0x80;
	s14 =	simm.s32 $0x100  }
0x5: {  	s15 =	simm.s32 $0x2000;
	s16 =	simm.s32 $0x2200;
	s17 =	simm.s32 $0x2400  }
0x6: {  	s18 =	simm.s32 $0x2600;
	s19 =	simm.s32 $0x2800;
	s20 =	simm.s32 $0x0  }
0x7: {  	s4 =	sand.u32 $0x1, s1;
	s6 =	sshll.u32 s0, $0x1;
	[smem:$0x7FF] =	sst s2  }
0x8: {  	s1 =	rddreg [dreg:$0x3];
	s6 =	sor.u32 s4, s6;
	_ =	strace $0x80000047  }
0x9: {  	s4 =	ssub.s32 $0x2, s4;
	s8 =	sshll.u32 s6, $0x9;
	s9 =	sshll.u32 s6, $0x5  }
0xa: {  	s10 =	sshrl.u32 s4, $0x1;
	s6 =	sshll.u32 s6, $0x7;
	s8 =	sadd.s32 s8, s3  }
0xb: {  	s9 =	sadd.s32 s9, s3;
	s10 =	ssub.s32 s4, s10;
	s11 =	sor.u32 $0x10, s6  }
0xc: {  	s4 =	sadd.s32 s5, s6;
	s6 =	sadd.s32 s7, s6;
	s3 =	sadd.s32 $0x200, s8  }
0xd: {  	s5 =	sadd.s32 s5, s11;
	s7 =	sadd.s32 s7, s11;
	s8 =	sadd.s32 $0x8200, s9  }
0xe: {  	s9 =	smax.u32 s10, $0x1;
	s10 =	simm.s32 $0x1000;
	s11 =	simm.s32 $0x20000  }
.LBB2_1:
0xf: {  	[tilespmem:s2], [sflag:$0x1] =	stream.strided.gather [hbm4b:s3+s10], $0x2000, s11, s10, $0x38;
	[tilespmem:$0x2900] =	vst v63  }
0x10: {  	_ =	swait.ge [sflag:s12], $0x2000  }
0x11: {  	s21 =	sand.u32 $0x70, s2;
	s22 =	sand.u32 $0xC00, s2;
	[sflag:s12] =	ssyncset.done $0x0  }
0x12: {  	s21 =	sor.u32 s21, s22;
	[sflag:s12] =	ssyncadd.s32 $0xFFFFE000  }
0x13: {  	v7 =	vld [tilespmem:s21+$0x0]  }
0x14: {  	v8 =	vld [tilespmem:s21+$0x80];
	_ =	sdelay $0x2  }
0x15: {  	v3 =	vld [tilespmem:s21+$0x100];
	_ =	sdelay $0x1  }
0x16: {  	vm0 =	vgt.f32 v8, v7;
	vm1 =	vgt.f32 v8, $-3.000000010e+38  }
0x17: {  	v1 =	vld [tilespmem:s21+$0x180];
	vm2 =	vmneg vm0;
	v0 =	vnsel vm1, $0xFF61B1E6, v8  }
0x18: {  	v0 =	vsel vm2, v0, v7  }
0x19: {  	v4 =	vsel vm2, v7, v8;
	vm3 =	vgt.f32 v3, v0  }
0x1a: {  	v32 =	vimm.s32 $0x0;
	v2 =	vld [tilespmem:s21+$0x200];
	vm4 =	vgt.f32 v3, v4;
	v0 =	vsel vm3, v3, v0  }
0x1b: {  	v5 =	vsel vm0, $0x1, v32;
	vm1 =	vmand vm2, vm1;
	v0 =	vsel vm4, v4, v0  }
0x1c: {  	v6 =	vsel vm1, $0x1, v32;
	v9 =	vsel vm4, v3, v4;
	vm0 =	vgt.f32 v1, v0  }
0x1d: {  	v6 =	vsel vm3, $0x2, v6;
	v4 =	vld [tilespmem:s21+$0x280];
	vm1 =	vgt.f32 v1, v9;
	v0 =	vsel vm0, v1, v0  }
0x1e: {  	v10 =	vsel vm4, $0x2, v5;
	v6 =	vsel vm4, v5, v6;
	v0 =	vsel vm1, v9, v0  }
0x1f: {  	v5 =	vld [tilespmem:s21+$0x300];
	v11 =	vsel vm1, $0x3, v10;
	v9 =	vsel vm1, v1, v9;
	vm2 =	vgt.f32 v2, v0  }
0x20: {  	v12 =	vsel vm0, $0x3, v6;
	vm0 =	vgt.f32 v2, v9;
	v0 =	vsel vm2, v2, v0  }
0x21: {  	v10 =	vsel vm1, v10, v12;
	v0 =	vsel vm0, v9, v0;
	v9 =	vsel vm0, v2, v9  }
0x22: {  	v6 =	vld [tilespmem:s21+$0x380];
	v13 =	vsel vm0, $0x4, v11;
	vm1 =	vgt.f32 v4, v9;
	vm3 =	vgt.f32 v4, v0  }
0x23: {  	v10 =	vsel vm2, $0x4, v10;
	v0 =	vsel vm3, v4, v0;
	v15 =	vsel vm1, v4, v9  }
0x24: {  	v12 =	vld [tilespmem:s21+$0x1000];
	v14 =	vsel vm1, $0x5, v13;
	v0 =	vsel vm1, v9, v0;
	vm2 =	vgt.f32 v5, v15  }
0x25: {  	v9 =	vsel vm0, v11, v10;
	vm0 =	vgt.f32 v5, v0;
	v10 =	vsel vm2, v5, v15  }
0x26: {  	v16 =	vsel vm2, $0x6, v14;
	v9 =	vsel vm3, $0x5, v9;
	v0 =	vsel vm0, v5, v0  }
0x27: {  	v11 =	vld [tilespmem:s21+$0x1080];
	vm14 =	vgt.f32 v6, v10;
	v9 =	vsel vm1, v13, v9;
	v0 =	vsel vm2, v15, v0  }
0x28: {  	v15 =	vsel vm14, v6, v10;
	v18 =	vsel vm14, $0x7, v16;
	vm3 =	vgt.f32 v6, v0  }
0x29: {  	v17 =	vld [tilespmem:s21+$0x1100];
	v9 =	vsel vm0, $0x6, v9;
	vm6 =	vgt.f32 v12, v15;
	v0 =	vsel vm3, v6, v0  }
0x2a: {  	v9 =	vsel vm2, v14, v9;
	v13 =	vsel vm6, $0x8, v18;
	v0 =	vsel vm14, v10, v0  }
0x2b: {  	v19 =	vld [tilespmem:s21+$0x1180];
	v9 =	vsel vm3, $0x7, v9;
	v10 =	vsel vm6, v12, v15;
	vm1 =	vgt.f32 v12, v0  }
0x2c: {  	v9 =	vsel vm14, v16, v9;
	vm0 =	vgt.f32 v11, v10;
	v0 =	vsel vm1, v12, v0  }
0x2d: {  	v14 =	vld [tilespmem:s21+$0x1200];
	v20 =	vsel vm0, $0x9, v13;
	v21 =	vsel vm0, v11, v10;
	v9 =	vsel vm1, $0x8, v9  }
0x2e: {  	v0 =	vsel vm6, v15, v0;
	vm3 =	vgt.f32 v17, v21;
	v9 =	vsel vm6, v18, v9  }
0x2f: {  	v15 =	vld [tilespmem:s21+$0x1280];
	vm7 =	vgt.f32 v11, v0;
	v22 =	vsel vm3, $0xA, v20;
	v23 =	vsel vm3, v17, v21  }
0x30: {  	v0 =	vsel vm7, v11, v0;
	vm15 =	vgt.f32 v19, v23;
	v9 =	vsel vm7, $0x9, v9  }
0x31: {  	v16 =	vld [tilespmem:s21+$0x1300];
	v0 =	vsel vm0, v10, v0;
	v10 =	vsel vm15, $0xB, v22;
	v24 =	vsel vm15, v19, v23  }
0x32: {  	v9 =	vsel vm0, v13, v9;
	vm8 =	vgt.f32 v17, v0;
	vm5 =	vgt.f32 v14, v24  }
0x33: {  	v18 =	vsel vm8, v17, v0;
	v25 =	vsel vm5, v14, v24;
	v0 =	vld [tilespmem:s21+$0x1380];
	v9 =	vsel vm8, $0xA, v9  }
0x34: {  	v18 =	vsel vm3, v21, v18;
	v21 =	vsel vm5, $0xC, v10;
	vm2 =	vgt.f32 v15, v25  }
0x35: {  	v9 =	vsel vm3, v20, v9;
	vm12 =	vgt.f32 v19, v18;
	v26 =	vsel vm2, v15, v25  }
0x36: {  	v27 =	vsel vm2, $0xD, v21;
	v18 =	vsel vm12, v19, v18;
	vm1 =	vgt.f32 v16, v26  }
0x37: {  	v9 =	vsel vm12, $0xB, v9;
	v13 =	vsel vm15, v23, v18;
	v23 =	vsel vm1, v16, v26  }
0x38: {  	v18 =	vsel vm1, $0xE, v27;
	vm13 =	vgt.f32 v14, v13;
	vm0 =	vgt.f32 v0, v23  }
0x39: {  	v9 =	vsel vm15, v22, v9;
	v13 =	vsel vm13, v14, v13;
	v30 =	vsel vm0, $0xF, v18  }
0x3a: {  	v9 =	vsel vm13, $0xC, v9;
	v22 =	vsel vm0, v0, v23;
	v13 =	vsel vm5, v24, v13  }
0x3b: {  	v20 =	vshrl.u32 v30, $0x2;
	v7 =	vsub.f32 v7, v22;
	v8 =	vsub.f32 v8, v22  }
0x3c: {  	v24 =	vshll.u32 v30, $0x3;
	v3 =	vsub.f32 v3, v22;
	v1 =	vsub.f32 v1, v22  }
0x3d: {  	v9 =	vsel vm5, v10, v9;
	v2 =	vsub.f32 v2, v22;
	v4 =	vsub.f32 v4, v22  }
0x3e: {  	v5 =	vsub.f32 v5, v22;
	vm3 =	vgt.f32 v15, v13;
	vm14 =	veq.s32 v20, $0x0  }
0x3f: {  	v13 =	vsel vm3, v15, v13;
	v7 =	vmul.f32 $1.442695020e+00, v7;
	v8 =	vmul.f32 $1.442695020e+00, v8  }
0x40: {  	v9 =	vsel vm3, $0xD, v9;
	v3 =	vmul.f32 $1.442695020e+00, v3;
	v1 =	vmul.f32 $1.442695020e+00, v1  }
0x41: {  	vm3 =	veq.s32 v20, $0x1;
	v2 =	vmul.f32 $1.442695020e+00, v2;
	v4 =	vmul.f32 $1.442695020e+00, v4  }
0x42: {  	v5 =	vmul.f32 $1.442695020e+00, v5;
	v10 =	vsel vm2, v25, v13;
	(erf) = vpow2.f32 v7  }
0x43: {  	v9 =	vsel vm2, v21, v9;
	vm15 =	vgt.f32 v16, v10;
	(erf) = vpow2.f32 v8  }
0x44: {  	v13 =	vimm.s32 $0x1;
	vm2 =	veq.s32 v20, $0x2;
	v10 =	vsel vm15, v16, v10  }
0x45: {  	v7 =	vsel vm15, $0xE, v9;
	v9 =	vand.u32 $0x18, v24;
	(erf) = vpow2.f32 v3  }
0x46: {  	v8 =	vsel vm1, v26, v10;
	v3 =	vsel vm1, v27, v7;
	v7 =	vimm.s32 $0x1  }
0x47: {  	vm1 =	veq.s32 v20, $0x3;
	v10 =	vsub.f32 v19, v22;
	(erf) = vpow2.f32 v1  }
0x48: {  	vm8 =	vgt.f32 v0, v8;
	v7 =	vshll.u32 v7, v9;
	v9 =	vsub.f32 v17, v22  }
0x49: {  	v1 =	vsel vm8, $0xF, v3;
	v3 =	vnsel vm14, $0x0, v7;
	(erf) = vpow2.f32 v2  }
0x4a: {  	v2 =	vsub.f32 v6, v22;
	v31 =	vsel vm0, v18, v1;
	v1 =	vsel vm8, v0, v8  }
0x4b: {  	v6 =	vsub.f32 v11, v22;
	(erf) = vpow2.f32 v4;
	v1 =	vsel vm0, v23, v1;
	v24 =	vpop (erf)  }
0x4c: {  	v10 =	vmul.f32 $1.442695020e+00, v10;
	v4 =	vsub.f32 v12, v22;
	v1 =	vsub.f32 v1, v22;
	v48 =	vpop (erf)  }
0x4d: {  	v2 =	vmul.f32 $1.442695020e+00, v2;
	(erf) = vpow2.f32 v5;
	v5 =	vadd.f32 v48, v24  }
0x4e: {  	v8 =	vnsel vm3, $0x0, v7;
	v4 =	vmul.f32 $1.442695020e+00, v4;
	v1 =	vmul.f32 $1.442695020e+00, v1;
	v33 =	vpop (erf)  }
0x4f: {  	(erf) = vpow2.f32 v2;
	v2 =	vadd.f32 v5, v33;
	v5 =	vmul.f32 $1.442695020e+00, v6  }
0x50: {  	(erf) = vpow2.f32 v4;
	v49 =	vpop (erf);
	v6 =	vmul.f32 $1.442695020e+00, v9;
	v9 =	vsub.f32 v14, v22  }
0x51: {  	v4 =	vsub.f32 v15, v22;
	v2 =	vadd.f32 v2, v49;
	(erf) = vpow2.f32 v5  }
0x52: {  	v35 =	vpop (erf);
	v9 =	vmul.f32 $1.442695020e+00, v9;
	v5 =	vsub.f32 v16, v22;
	(erf) = vpow2.f32 v6  }
0x53: {  	v4 =	vmul.f32 $1.442695020e+00, v4;
	v2 =	vadd.f32 v2, v35;
	(erf) = vpow2.f32 v10  }
0x54: {  	v3 =	vadd.s32 v32, v3;
	v36 =	vpop (erf);
	v5 =	vmul.f32 $1.442695020e+00, v5;
	(erf) = vpow2.f32 v9  }
0x55: {  	v9 =	vnsel vm2, $0x0, v7;
	v2 =	vadd.f32 v2, v36;
	(erf) = vpow2.f32 v4  }
0x56: {  	s24 =	simm.s32 $0x10;
	s25 =	simm.s32 $0x80;
	v37 =	vpop (erf);
	v4 =	vshll.u32 v31, $0x3;
	(erf) = vpow2.f32 v5;
	v5 =	vshrl.u32 v31, $0x2  }
0x57: {  	s22 =	sand.u32 $0xC00, s25;
	s21 =	sand.u32 $0x70, s24;
	v2 =	vadd.f32 v2, v37;
	(erf) = vpow2.f32 v1;
	v1 =	vand.u32 $0x18, v4  }
0x58: {  	s21 =	sor.u32 s21, s22;
	v7 =	vnsel vm1, $0x0, v7;
	v38 =	vpop (erf);
	vm0 =	veq.s32 v5, $0x0;
	v1 =	vshll.u32 v13, v1  }
0x59: {  	v39 =	vpop (erf);
	vm1 =	veq.s32 v5, $0x1;
	v4 =	vld [tilespmem:s21+$0x0];
	v2 =	vadd.f32 v2, v38;
	v6 =	vnsel vm0, $0x0, v1  }
0x5a: {  	vm2 =	veq.s32 v5, $0x2;
	vm0 =	veq.s32 v5, $0x3;
	v40 =	vpop (erf);
	v5 =	vadd.s32 v6, v3;
	v6 =	vld [tilespmem:s21+$0x80]  }
0x5b: {  	v12 =	vadd.s32 v32, v7;
	v2 =	vadd.f32 v2, v39;
	v13 =	vpop (erf)  }
0x5c: {  	v10 =	vnsel vm1, $0x0, v1;
	v3 =	vnsel vm2, $0x0, v1;
	v11 =	vnsel vm0, $0x0, v1;
	v14 =	vpop (erf)  }
0x5d: {  	v1 =	vadd.f32 v2, v40;
	v2 =	vadd.s32 v32, v8;
	v8 =	vadd.s32 v32, v9;
	v16 =	vpop (erf)  }
0x5e: {  	v7 =	vld [tilespmem:s21+$0x100];
	v9 =	vsub.f32 v0, v22;
	v0 =	vadd.s32 v10, v2;
	v15 =	vpop (erf);
	v2 =	vadd.s32 v11, v12  }
0x5f: {  	v10 =	vadd.f32 v1, v13;
	v1 =	vadd.s32 v3, v8;
	v34 =	vpop (erf);
	vm0 =	vgt.f32 v6, v4  }
0x60: {  	[tilespmem:$0x1FED0] =	vst v13;
	v3 =	vmul.f32 $1.442695020e+00, v9;
	vm1 =	vgt.f32 v6, $-3.000000010e+38;
	v41 =	vpop (erf);
	vm2 =	vmneg vm0  }
0x61: {  	[tilespmem:$0x1FEE0] =	vst v14;
	v11 =	vnsel vm1, $0xFF61B1E6, v6;
	v9 =	vadd.f32 v10, v14;
	v10 =	vadd.f32 $1.000000000e+00, v41  }
0x62: {  	v8 =	vld [tilespmem:s21+$0x180];
	(erf) = vpow2.f32 v3;
	v3 =	vsel vm2, v11, v4;
	vm1 =	vmand vm2, vm1  }
0x63: {  	vm3 =	vgt.f32 v7, v3;
	v13 =	vsel vm1, $0x1, v32  }
0x64: {  	[tilespmem:$0x1FEF0] =	vst v16;
	v11 =	vadd.f32 v9, v16;
	(erf) = vrcp.f32 v10;
	v10 =	vsel vm2, v4, v6  }
0x65: {  	v9 =	vld [tilespmem:s21+$0x200];
	v12 =	vsel vm3, v7, v3;
	v13 =	vsel vm3, $0x2, v13;
	vm9 =	vgt.f32 v7, v10  }
0x66: {  	v3 =	vadd.f32 v11, v15;
	v12 =	vsel vm9, v10, v12;
	v14 =	vsel vm9, v7, v10  }
0x67: {  	[tilespmem:$0x1FF00] =	vst v15;
	v11 =	vsel vm0, $0x1, v32;
	vm0 =	vgt.f32 v8, v12;
	vm1 =	vgt.f32 v8, v14  }
0x68: {  	v10 =	vld [tilespmem:s21+$0x280];
	v13 =	vsel vm9, v11, v13;
	v11 =	vsel vm9, $0x2, v11;
	v12 =	vsel vm0, v8, v12  }
0x69: {  	v63 =	vimm.s32 $0x1;
	v16 =	vsel vm1, $0x3, v11;
	v15 =	vsel vm1, v14, v12  }
0x6a: {  	v17 =	vsel vm0, $0x3, v13;
	v14 =	vsel vm1, v8, v14;
	vm2 =	vgt.f32 v9, v15  }
0x6b: {  	v3 =	vadd.f32 v3, v34;
	v12 =	vld [tilespmem:s21+$0x300];
	vm0 =	vgt.f32 v9, v14;
	v15 =	vsel vm2, v9, v15  }
0x6c: {  	v11 =	vsel vm1, v11, v17;
	v18 =	vsel vm0, $0x4, v16;
	v15 =	vsel vm0, v14, v15  }
0x6d: {  	v13 =	vld [tilespmem:s21+$0x380];
	v19 =	vsel vm0, v9, v14;
	v11 =	vsel vm2, $0x4, v11;
	vm3 =	vgt.f32 v10, v15  }
0x6e: {  	vm1 =	vgt.f32 v10, v19;
	v11 =	vsel vm0, v16, v11;
	v15 =	vsel vm3, v10, v15  }
0x6f: {  	v14 =	vld [tilespmem:s21+$0x1000];
	v17 =	vsel vm1, $0x5, v18;
	v21 =	vsel vm1, v10, v19;
	v15 =	vsel vm1, v19, v15  }
0x70: {  	vm2 =	vgt.f32 v12, v21;
	v11 =	vsel vm3, $0x5, v11;
	vm0 =	vgt.f32 v12, v15  }
0x71: {  	v16 =	vsel vm2, v12, v21;
	v19 =	vsel vm2, $0x6, v17;
	v15 =	vsel vm0, v12, v15  }
0x72: {  	v20 =	vld [tilespmem:s21+$0x1080];
	v11 =	vsel vm1, v18, v11;
	vm10 =	vgt.f32 v13, v16;
	v15 =	vsel vm2, v21, v15  }
0x73: {  	v23 =	vsel vm10, $0x7, v19;
	v21 =	vsel vm10, v13, v16;
	vm3 =	vgt.f32 v13, v15  }
0x74: {  	v22 =	vld [tilespmem:s21+$0x1100];
	v11 =	vsel vm0, $0x6, v11;
	vm11 =	vgt.f32 v14, v21;
	v15 =	vsel vm3, v13, v15  }
0x75: {  	v11 =	vsel vm2, v17, v11;
	v18 =	vsel vm11, $0x8, v23;
	v15 =	vsel vm10, v16, v15  }
0x76: {  	v25 =	vld [tilespmem:s21+$0x1180];
	v11 =	vsel vm3, $0x7, v11;
	v16 =	vsel vm11, v14, v21;
	vm2 =	vgt.f32 v14, v15  }
0x77: {  	v11 =	vsel vm10, v19, v11;
	vm0 =	vgt.f32 v20, v16;
	v15 =	vsel vm2, v14, v15  }
0x78: {  	v17 =	vld [tilespmem:s21+$0x1200];
	v26 =	vsel vm0, $0x9, v18;
	v27 =	vsel vm0, v20, v16;
	v11 =	vsel vm2, $0x8, v11  }
0x79: {  	v15 =	vsel vm11, v21, v15;
	vm1 =	vgt.f32 v22, v27;
	v23 =	vsel vm11, v23, v11  }
0x7a: {  	v21 =	vld [tilespmem:s21+$0x1280];
	vm12 =	vgt.f32 v20, v15;
	v28 =	vsel vm1, $0xA, v26;
	v29 =	vsel vm1, v22, v27  }
0x7b: {  	v15 =	vsel vm12, v20, v15;
	vm3 =	vgt.f32 v25, v29;
	v23 =	vsel vm12, $0x9, v23  }
0x7c: {  	v19 =	vld [tilespmem:s21+$0x1300];
	v15 =	vsel vm0, v16, v15;
	v16 =	vsel vm3, $0xB, v28;
	v42 =	vsel vm3, v25, v29  }
0x7d: {  	v18 =	vsel vm0, v18, v23;
	vm2 =	vgt.f32 v22, v15;
	vm13 =	vgt.f32 v17, v42  }
0x7e: {  	v11 =	vld [tilespmem:s21+$0x1380];
	v15 =	vsel vm2, v22, v15;
	v43 =	vsel vm13, v17, v42;
	v18 =	vsel vm2, $0xA, v18  }
0x7f: {  	v15 =	vsel vm1, v27, v15;
	v27 =	vsel vm13, $0xC, v16;
	vm14 =	vgt.f32 v21, v43  }
0x80: {  	v18 =	vsel vm1, v26, v18;
	vm15 =	vgt.f32 v25, v15;
	v44 =	vsel vm14, v21, v43  }
0x81: {  	v45 =	vsel vm14, $0xD, v27;
	v15 =	vsel vm15, v25, v15;
	vm9 =	vgt.f32 v19, v44  }
0x82: {  	v18 =	vsel vm15, $0xB, v18;
	v15 =	vsel vm3, v29, v15;
	v29 =	vsel vm9, v19, v44  }
0x83: {  	v23 =	vsel vm9, $0xE, v45;
	vm0 =	vgt.f32 v17, v15;
	vm2 =	vgt.f32 v11, v29  }
0x84: {  	v18 =	vsel vm3, v28, v18;
	v15 =	vsel vm0, v17, v15;
	v46 =	vsel vm2, v11, v29  }
0x85: {  	v18 =	vsel vm0, $0xC, v18;
	v15 =	vsel vm13, v42, v15;
	v4 =	vsub.f32 v4, v46  }
0x86: {  	v42 =	vsel vm2, $0xF, v23;
	v6 =	vsub.f32 v6, v46;
	v7 =	vsub.f32 v7, v46  }
0x87: {  	v16 =	vsel vm13, v16, v18;
	v8 =	vsub.f32 v8, v46;
	v9 =	vsub.f32 v9, v46  }
0x88: {  	vm1 =	vgt.f32 v21, v15;
	v26 =	vshrl.u32 v42, $0x2;
	v28 =	vshll.u32 v42, $0x3  }
0x89: {  	v15 =	vsel vm1, v21, v15;
	vm0 =	veq.s32 v26, $0x0;
	v16 =	vsel vm1, $0xD, v16  }
0x8a: {  	vm3 =	veq.s32 v26, $0x1;
	vm10 =	veq.s32 v26, $0x2;
	v4 =	vmul.f32 $1.442695020e+00, v4  }
0x8b: {  	v18 =	vand.u32 $0x18, v28;
	v6 =	vmul.f32 $1.442695020e+00, v6;
	v7 =	vmul.f32 $1.442695020e+00, v7  }
0x8c: {  	v15 =	vsel vm14, v43, v15;
	v16 =	vsel vm14, v27, v16;
	v18 =	vshll.u32 v63, v18  }
0x8d: {  	vm1 =	vgt.f32 v19, v15;
	v27 =	vnsel vm0, $0x0, v18;
	vm0 =	veq.s32 v26, $0x3  }
0x8e: {  	v26 =	vnsel vm10, $0x0, v18;
	(erf) = vpow2.f32 v4;
	v4 =	vmul.f32 $1.442695020e+00, v8  }
0x8f: {  	v8 =	vsub.f32 v10, v46;
	v10 =	vsub.f32 v22, v46;
	v15 =	vsel vm1, v19, v15  }
0x90: {  	v16 =	vsel vm1, $0xE, v16;
	v5 =	vadd.s32 v5, v27;
	(erf) = vpow2.f32 v6  }
0x91: {  	v22 =	vpop (erf);
	v6 =	vmul.f32 $1.442695020e+00, v9;
	v9 =	vsub.f32 v12, v46;
	v1 =	vadd.s32 v1, v26  }
0x92: {  	v3 =	vadd.f32 v3, v22;
	v15 =	vsel vm9, v44, v15;
	v16 =	vsel vm9, v45, v16  }
0x93: {  	(erf) = vpow2.f32 v7;
	v7 =	vmul.f32 $1.442695020e+00, v8;
	v8 =	vsub.f32 v13, v46  }
0x94: {  	vm11 =	vgt.f32 v11, v15;
	(erf) = vpow2.f32 v4;
	v4 =	vmul.f32 $1.442695020e+00, v9  }
0x95: {  	v9 =	vsub.f32 v14, v46;
	v16 =	vsel vm11, $0xF, v16;
	v15 =	vsel vm11, v11, v15  }
0x96: {  	(erf) = vpow2.f32 v6;
	v6 =	vmul.f32 $1.442695020e+00, v8;
	v8 =	vsub.f32 v20, v46  }
0x97: {  	v43 =	vsel vm2, v23, v16;
	v16 =	vnsel vm3, $0x0, v18;
	v18 =	vnsel vm0, $0x0, v18  }
0x98: {  	v15 =	vsel vm2, v29, v15;
	(erf) = vpow2.f32 v7;
	v9 =	vmul.f32 $1.442695020e+00, v9  }
0x99: {  	v23 =	vshll.u32 v43, $0x3;
	v28 =	vshrl.u32 v43, $0x2;
	(erf) = vpow2.f32 v4  }
0x9a: {  	v4 =	vmul.f32 $1.442695020e+00, v8;
	v8 =	vsub.f32 v25, v46;
	v0 =	vadd.s32 v0, v16  }
0x9b: {  	v2 =	vadd.s32 v2, v18;
	v23 =	vand.u32 $0x18, v23;
	vm3 =	veq.s32 v28, $0x0  }
0x9c: {  	vm12 =	veq.s32 v28, $0x1;
	vm1 =	veq.s32 v28, $0x2;
	vm0 =	veq.s32 v28, $0x3  }
0x9d: {  	(erf) = vpow2.f32 v6;
	v6 =	vmul.f32 $1.442695020e+00, v10;
	v10 =	vsub.f32 v17, v46  }
0x9e: {  	v7 =	vpop (erf);
	v44 =	vshll.u32 v63, v23;
	(erf) = vpow2.f32 v9;
	v8 =	vmul.f32 $1.442695020e+00, v8  }
0x9f: {  	s26 =	simm.s32 $0x20;
	s25 =	simm.s32 $0x100;
	v9 =	vsub.f32 v21, v46;
	v28 =	vnsel vm3, $0x0, v44;
	v27 =	vnsel vm12, $0x0, v44;
	v14 =	vpop (erf)  }
0xa0: {  	s29 =	sand.u32 $0xC00, s25;
	s21 =	sand.u32 $0x70, s26;
	(erf) = vpow2.f32 v4;
	v4 =	vmul.f32 $1.442695020e+00, v10;
	v10 =	vsub.f32 v19, v46;
	v13 =	vpop (erf);
	[tilespmem:$0x1FF20] =	vst v14  }
0xa1: {  	s21 =	sor.u32 s21, s29;
	(erf) = vpow2.f32 v6;
	v6 =	vsub.f32 v15, v46;
	v9 =	vmul.f32 $1.442695020e+00, v9;
	[tilespmem:$0x1FF10] =	vst v13  }
0xa2: {  	(erf) = vpow2.f32 v8;
	v8 =	vmul.f32 $1.442695020e+00, v10;
	v10 =	vadd.f32 v13, v14;
	v45 =	vld [tilespmem:s21+$0x0]  }
0xa3: {  	v29 =	vadd.s32 v28, v5;
	v5 =	vnsel vm1, $0x0, v44;
	v12 =	vpop (erf);
	(erf) = vpow2.f32 v4;
	v47 =	vld [tilespmem:s21+$0x80]  }
0xa4: {  	v13 =	vpop (erf);
	v4 =	vmul.f32 $1.442695020e+00, v6;
	(erf) = vpow2.f32 v9;
	v6 =	vadd.f32 v10, v12  }
0xa5: {  	v26 =	vadd.s32 v5, v1;
	v1 =	vsub.f32 v11, v46;
	[tilespmem:$0x1FF30] =	vst v12;
	v14 =	vpop (erf);
	(erf) = vpow2.f32 v8  }
0xa6: {  	[tilespmem:$0x1FF40] =	vst v13;
	v9 =	vpop (erf);
	v8 =	vnsel vm0, $0x0, v44;
	(erf) = vpow2.f32 v4;
	v4 =	vadd.f32 v6, v13  }
0xa7: {  	v28 =	vadd.s32 v27, v0;
	v1 =	vmul.f32 $1.442695020e+00, v1;
	v56 =	vld [tilespmem:s21+$0x100];
	[tilespmem:$0x1FF60] =	vst v14;
	v10 =	vpop (erf);
	v0 =	vadd.s32 v8, v2  }
0xa8: {  	v44 =	vimm.f32 $0.0e+00;
	[tilespmem:$0x1FF50] =	vst v0;
	v6 =	vpop (erf);
	v0 =	vadd.f32 v4, v14;
	vm0 =	vgt.f32 v47, v45  }
0xa9: {  	vm1 =	vgt.f32 v47, $-3.000000010e+38;
	v58 =	vld [tilespmem:s21+$0x180];
	[tilespmem:$0x1FF70] =	vst v34;
	(erf) = vpow2.f32 v1;
	v34 =	vmul.f32 v7, v41;
	v5 =	vpop (erf)  }
0xaa: {  	vm3 =	vmneg vm0;
	v2 =	vnsel vm1, $0xFF61B1E6, v47;
	v12 =	vpop (erf);
	v0 =	vadd.f32 v0, v9  }
0xab: {  	[tilespmem:$0x1FF80] =	vst v9;
	v41 =	vimm.f32 $0.0e+00;
	v2 =	vsel vm3, v2, v45;
	v4 =	vsel vm3, v45, v47;
	v20 =	vpop (erf)  }
0xac: {  	[tilespmem:$0x1FF90] =	vst v10;
	(erf) = vrcp.f32 v3;
	vm13 =	vgt.f32 v56, v2;
	v11 =	vpop (erf);
	v0 =	vadd.f32 v0, v10  }
0xad: {  	v59 =	vld [tilespmem:s21+$0x200];
	vm1 =	vmand vm3, vm1;
	vm2 =	vgt.f32 v56, v4;
	v2 =	vsel vm13, v56, v2;
	v13 =	vpop (erf)  }
0xae: {  	v3 =	vsel vm1, $0x1, v32;
	v1 =	vsel vm2, v4, v2;
	v14 =	vpop (erf);
	v0 =	vadd.f32 v0, v6  }
0xaf: {  	[tilespmem:$0x1FFA0] =	vst v6;
	v3 =	vsel vm13, $0x2, v3;
	v2 =	vsel vm2, v56, v4;
	vm14 =	vgt.f32 v58, v1;
	v23 =	vpop (erf)  }
0xb0: {  	v60 =	vld [tilespmem:s21+$0x280];
	vm15 =	vgt.f32 v58, v2;
	v1 =	vsel vm14, v58, v1;
	v27 =	vpop (erf);
	v15 =	vadd.f32 v0, v5  }
0xb1: {  	v0 =	vsel vm15, v2, v1;
	v1 =	vsel vm15, v58, v2;
	v4 =	vadd.f32 $1.000000000e+00, v27  }
0xb2: {  	v2 =	vsel vm0, $0x1, v32;
	vm9 =	vgt.f32 v59, v0;
	vm3 =	vgt.f32 v59, v1  }
0xb3: {  	v25 =	vmovc v22;
	v0 =	vsel vm9, v59, v0;
	v15 =	vadd.f32 v15, v12;
	(erf) = vrcp.f32 v4  }
0xb4: {  	v22 =	vpop (erf);
	v0 =	vsel vm3, v1, v0;
	v1 =	vsel vm3, v59, v1;
	v4 =	vsel vm2, $0x2, v2  }
0xb5: {  	v2 =	vsel vm2, v2, v3;
	v46 =	vpop (erf);
	vm0 =	vgt.f32 v60, v0;
	vm1 =	vgt.f32 v60, v1  }
0xb6: {  	v3 =	vsel vm15, $0x3, v4;
	v57 =	vmul.f32 v46, v48;
	v55 =	vmul.f32 v46, v33  }
0xb7: {  	[tilespmem:$0x1FFB0] =	vst v5;
	v2 =	vsel vm14, $0x3, v2;
	v49 =	vmul.f32 v46, v49;
	v50 =	vmul.f32 v46, v35  }
0xb8: {  	v62 =	vld [tilespmem:s21+$0x300];
	v15 =	vadd.f32 v15, v20;
	v51 =	vmul.f32 v46, v36;
	v48 =	vmul.f32 v46, v37  }
0xb9: {  	v33 =	vimm.f32 $0.0e+00;
	v52 =	vmul.f32 v46, v38;
	v54 =	vmul.f32 v46, v39  }
0xba: {  	v53 =	vmul.f32 v46, v40;
	v40 =	vimm.f32 $0.0e+00;
	v37 =	vimm.f32 $0.0e+00  }
0xbb: {  	v63 =	vld [tilespmem:s21+$0x380];
	v38 =	vimm.f32 $0.0e+00;
	v36 =	vimm.f32 $0.0e+00;
	v0 =	vsel vm0, v60, v0  }
0xbc: {  	v39 =	vimm.f32 $0.0e+00;
	v35 =	vimm.f32 $0.0e+00;
	v0 =	vsel vm1, v1, v0  }
0xbd: {  	v5 =	vsel vm1, v60, v1;
	v6 =	vsel vm3, $0x4, v3;
	vm2 =	vgt.f32 v62, v0  }
0xbe: {  	v2 =	vsel vm15, v4, v2;
	v1 =	vld [tilespmem:s21+$0x1000];
	vm10 =	vgt.f32 v62, v5;
	v0 =	vsel vm2, v62, v0  }
0xbf: {  	v4 =	vsel vm1, $0x5, v6;
	v15 =	vadd.f32 v15, v11;
	v8 =	vsel vm10, v5, v0  }
0xc0: {  	v0 =	vsel vm9, $0x4, v2;
	v2 =	vsel vm10, v62, v5;
	vm11 =	vgt.f32 v63, v8  }
0xc1: {  	v3 =	vsel vm3, v3, v0;
	v0 =	vld [tilespmem:s21+$0x1080];
	vm3 =	vgt.f32 v63, v2;
	v5 =	vsel vm11, v63, v8  }
0xc2: {  	v15 =	vadd.f32 v15, v13;
	v8 =	vsel vm10, $0x6, v4;
	v5 =	vsel vm3, v2, v5  }
0xc3: {  	v3 =	vsel vm0, $0x5, v3;
	v9 =	vsel vm3, v63, v2;
	vm0 =	vgt.f32 v1, v5  }
0xc4: {  	v10 =	vsel vm3, $0x7, v8;
	v2 =	vld [tilespmem:s21+$0x1100];
	vm12 =	vgt.f32 v1, v9;
	v5 =	vsel vm0, v1, v5  }
0xc5: {  	v3 =	vsel vm1, v6, v3;
	v6 =	vsel vm12, $0x8, v10;
	v5 =	vsel vm12, v9, v5  }
0xc6: {  	v16 =	vsel vm12, v1, v9;
	v9 =	vsel vm2, $0x6, v3;
	vm2 =	vgt.f32 v0, v5  }
0xc7: {  	vm1 =	vgt.f32 v0, v16;
	v3 =	vld [tilespmem:s21+$0x1180];
	v4 =	vsel vm10, v4, v9;
	v5 =	vsel vm2, v0, v5  }
0xc8: {  	v9 =	vsel vm1, $0x9, v6;
	v4 =	vsel vm11, $0x7, v4;
	v5 =	vsel vm1, v16, v5  }
0xc9: {  	v17 =	vsel vm1, v0, v16;
	v8 =	vsel vm3, v8, v4;
	vm3 =	vgt.f32 v2, v5  }
0xca: {  	vm13 =	vgt.f32 v2, v17;
	v4 =	vld [tilespmem:s21+$0x1200];
	v8 =	vsel vm0, $0x8, v8;
	v5 =	vsel vm3, v2, v5  }
0xcb: {  	v16 =	vsel vm13, $0xA, v9;
	v8 =	vsel vm12, v10, v8;
	v10 =	vsel vm13, v17, v5  }
0xcc: {  	v18 =	vsel vm13, v2, v17;
	v8 =	vsel vm2, $0x9, v8;
	vm2 =	vgt.f32 v3, v10  }
0xcd: {  	vm0 =	vgt.f32 v3, v18;
	v5 =	vld [tilespmem:s21+$0x1280];
	v6 =	vsel vm1, v6, v8;
	v10 =	vsel vm2, v3, v10  }
0xce: {  	v8 =	vsel vm0, v3, v18;
	v10 =	vsel vm0, v18, v10;
	v18 =	vsel vm3, $0xA, v6  }
0xcf: {  	v17 =	vsel vm0, $0xB, v16;
	vm3 =	vgt.f32 v4, v10;
	v9 =	vsel vm13, v9, v18  }
0xd0: {  	vm1 =	vgt.f32 v4, v8;
	v6 =	vld [tilespmem:s21+$0x1300];
	v10 =	vsel vm3, v4, v10;
	v9 =	vsel vm2, $0xB, v9  }
0xd1: {  	v18 =	vsel vm1, v4, v8;
	v10 =	vsel vm1, v8, v10;
	v8 =	vld [tilespmem:s21+$0x1380];
	v9 =	vsel vm0, v16, v9;
	[tilespmem:$0x1FFC0] =	vst v12  }
0xd2: {  	v16 =	vsel vm1, $0xC, v17;
	vm0 =	vgt.f32 v5, v18;
	[tilespmem:$0x1FFD0] =	vst v11;
	v11 =	vimm.s32 $0x1  }
0xd3: {  	vm2 =	vgt.f32 v5, v10;
	v9 =	vsel vm3, $0xC, v9;
	[tilespmem:s15+$0x0] =	vst v30;
	v30 =	vimm.f32 $0.0e+00  }
0xd4: {  	v9 =	vsel vm1, v17, v9;
	v17 =	vsel vm0, v5, v18;
	v10 =	vsel vm2, v5, v10  }
0xd5: {  	[tilespmem:$0x1FFE0] =	vst v13;
	vm1 =	vgt.f32 v6, v17;
	v10 =	vsel vm0, v18, v10;
	v9 =	vsel vm2, $0xD, v9  }
0xd6: {  	v18 =	vsel vm0, $0xD, v16;
	[tilespmem:s16+$0x0] =	vst v31;
	v31 =	vimm.f32 $0.0e+00;
	vm2 =	vgt.f32 v6, v10  }
0xd7: {  	v16 =	vsel vm0, v16, v9;
	v9 =	vsel vm1, v6, v17;
	v10 =	vsel vm2, v6, v10  }
0xd8: {  	v19 =	vsel vm1, $0xE, v18;
	[tilespmem:s17+$0x0] =	vst v7;
	v16 =	vsel vm2, $0xE, v16;
	v10 =	vsel vm1, v17, v10  }
0xd9: {  	s30 =	simm.s32 $0x2010;
	vm0 =	vgt.f32 v8, v9;
	[tilespmem:$0x1FFF0] =	vst v14;
	v16 =	vsel vm1, v18, v16;
	vm1 =	vgt.f32 v8, v10  }
0xda: {  	v7 =	vadd.f32 v15, v14;
	v61 =	vsel vm0, $0xF, v19;
	[tilespmem:s30+$0x0] =	vst v42;
	v16 =	vsel vm1, $0xF, v16  }
0xdb: {  	s31 =	simm.s32 $0x2210;
	[tilespmem:s18+$0x0] =	vst v34;
	v42 =	vimm.f32 $0.0e+00;
	v32 =	vsel vm0, v19, v16;
	v16 =	vmul.f32 v46, v24  }
0xdc: {  	v34 =	vimm.f32 $0.0e+00;
	v17 =	vshrl.u32 v61, $0x2;
	[tilespmem:s31+$0x0] =	vst v43;
	v43 =	vimm.f32 $0.0e+00  }
0xdd: {  	vm3 =	veq.s32 v17, $0x0;
	v24 =	vadd.f32 v16, v33;
	v16 =	vshll.u32 v61, $0x3  }
0xde: {  	s22 =	simm.s32 $0x2020;
	vm14 =	veq.s32 v17, $0x1;
	vm2 =	veq.s32 v17, $0x2;
	v16 =	vand.u32 $0x18, v16  }
0xdf: {  	s21 =	simm.s32 $0x2220;
	[tilespmem:s22+$0x0] =	vst v61;
	vm15 =	veq.s32 v17, $0x3;
	v21 =	vshll.u32 v32, $0x3;
	v17 =	vshll.u32 v11, v16  }
0xe0: {  	s23 =	simm.s32 $0x2410;
	v19 =	vshrl.u32 v32, $0x2;
	[tilespmem:s21+$0x0] =	vst v32;
	v32 =	vimm.f32 $0.0e+00;
	v61 =	vpop (erf);
	v18 =	vnsel vm3, $0x0, v17  }
0xe1: {  	s28 =	simm.s32 $0x40;
	s24 =	simm.s32 $0x2600;
	s26 =	simm.s32 $0x30;
	[tilespmem:s23+$0x0] =	vst v61;
	v16 =	vnsel vm14, $0x0, v17;
	v15 =	vnsel vm2, $0x0, v17;
	v17 =	vnsel vm15, $0x0, v17  }
.LBB2_2:
0xe2: {  	v21 =	vand.u32 $0x18, v21;
	v12 =	vld [tilespmem:$0x1FF50]  }
0xe3: {  	vm2 =	veq.s32 v19, $0x0;
	vm3 =	veq.s32 v19, $0x1;
	v11 =	vimm.s32 $0x1  }
0xe4: {  	vm4 =	veq.s32 v19, $0x2;
	vm5 =	veq.s32 v19, $0x3;
	v18 =	vadd.s32 v29, v18  }
0xe5: {  	v16 =	vadd.s32 v28, v16;
	v15 =	vadd.s32 v26, v15;
	v21 =	vshll.u32 v11, v21  }
0xe6: {  	v10 =	vsel vm1, v8, v10;
	v19 =	vnsel vm2, $0x0, v21;
	v11 =	vnsel vm3, $0x0, v21  }
0xe7: {  	v29 =	vadd.s32 v19, v18;
	v19 =	vnsel vm5, $0x0, v21;
	v17 =	vadd.s32 v12, v17;
	v12 =	vld [tilespmem:$0x1FED0]  }
0xe8: {  	v18 =	vnsel vm4, $0x0, v21;
	v28 =	vadd.s32 v11, v16;
	v11 =	vadd.s32 v19, v17  }
0xe9: {  	v7 =	vadd.f32 v7, v23;
	v26 =	vadd.s32 v18, v15;
	[tilespmem:$0x1FF50] =	vst v11;
	v11 =	vsel vm0, v8, v9  }
0xea: {  	v9 =	vsel vm0, v9, v10;
	v10 =	vsub.f32 v45, v11;
	v15 =	vsub.f32 v47, v11  }
0xeb: {  	v16 =	vsub.f32 v56, v11;
	v17 =	vsub.f32 v58, v11  }
0xec: {  	v19 =	vsub.f32 v59, v11;
	v18 =	vmul.f32 v46, v12;
	v10 =	vmul.f32 $1.442695020e+00, v10  }
0xed: {  	v21 =	vsub.f32 v62, v11;
	v15 =	vmul.f32 $1.442695020e+00, v15;
	v16 =	vmul.f32 $1.442695020e+00, v16  }
0xee: {  	v1 =	vsub.f32 v1, v11;
	v17 =	vmul.f32 $1.442695020e+00, v17;
	(erf) = vpow2.f32 v10  }
0xef: {  	v12 =	vmovc v20;
	v20 =	vsub.f32 v60, v11;
	v19 =	vmul.f32 $1.442695020e+00, v19;
	(erf) = vpow2.f32 v15  }
0xf0: {  	v0 =	vsub.f32 v0, v11;
	v1 =	vmul.f32 $1.442695020e+00, v1;
	(erf) = vpow2.f32 v16  }
0xf1: {  	[tilespmem:$0x1FED0] =	vst v12;
	v12 =	vld [tilespmem:$0x1FF00];
	v10 =	vmul.f32 $1.442695020e+00, v20;
	v20 =	vsub.f32 v63, v11;
	(erf) = vpow2.f32 v17  }
0xf2: {  	v2 =	vsub.f32 v2, v11;
	v15 =	vmul.f32 $1.442695020e+00, v21;
	(erf) = vpow2.f32 v19  }
0xf3: {  	v3 =	vsub.f32 v3, v11;
	v16 =	vmul.f32 $1.442695020e+00, v20;
	(erf) = vpow2.f32 v10  }
0xf4: {  	v4 =	vsub.f32 v4, v11;
	v0 =	vmul.f32 $1.442695020e+00, v0;
	(erf) = vpow2.f32 v15  }
0xf5: {  	v5 =	vsub.f32 v5, v11;
	v2 =	vmul.f32 $1.442695020e+00, v2;
	(erf) = vpow2.f32 v16  }
0xf6: {  	v6 =	vsub.f32 v6, v11;
	v15 =	vmul.f32 v46, v12;
	v12 =	vld [tilespmem:$0x1FFD0];
	(erf) = vpow2.f32 v1  }
0xf7: {  	v3 =	vmul.f32 $1.442695020e+00, v3;
	v1 =	vsub.f32 v9, v11;
	v9 =	vpop (erf);
	(erf) = vpow2.f32 v0  }
0xf8: {  	v4 =	vmul.f32 $1.442695020e+00, v4;
	v11 =	vsub.f32 v8, v11;
	v8 =	vpop (erf);
	(erf) = vpow2.f32 v2  }
0xf9: {  	v5 =	vmul.f32 $1.442695020e+00, v5;
	v10 =	vpop (erf);
	(erf) = vpow2.f32 v3  }
0xfa: {  	v0 =	vmul.f32 $1.442695020e+00, v6;
	v6 =	vpop (erf);
	(erf) = vpow2.f32 v4  }
0xfb: {  	v13 =	vmov v12;
	v4 =	vadd.f32 v7, v22;
	v7 =	vpop (erf);
	(erf) = vpow2.f32 v5;
	v5 =	vld [tilespmem:$0x1FEE0]  }
0xfc: {  	v1 =	vmul.f32 $1.442695020e+00, v1;
	[tilespmem:$0x1FEE0] =	vst v13;
	v13 =	vld [tilespmem:$0x1FFE0];
	_ =	sdelay $0x2  }
0xfd: {  	v3 =	vmul.f32 $1.442695020e+00, v11;
	v11 =	vpop (erf);
	(erf) = vpow2.f32 v0  }
0xfe: {  	(erf) = vpow2.f32 v1;
	v1 =	vpop (erf)  }
0xff: {  	v0 =	vld [tilespmem:$0x1FEF0];
	v16 =	vpop (erf);
	v14 =	vmov v13  }
0x100: {  	(erf) = vpow2.f32 v3;
	v17 =	vpop (erf);
	[tilespmem:$0x1FEF0] =	vst v14;
	v14 =	vld [tilespmem:$0x1FFF0]  }
0x101: {  	v3 =	vld [tilespmem:$0x1FF70];
	(erf) = vrcp.f32 v4;
	v19 =	vpop (erf)  }
0x102: {  	v2 =	vadd.f32 v8, v9;
	v20 =	vpop (erf)  }
0x103: {  	v12 =	vpop (erf)  }
0x104: {  	v39 =	vadd.f32 v18, v39;
	v2 =	vadd.f32 v2, v10;
	v13 =	vpop (erf)  }
0x105: {  	v4 =	vmul.f32 v46, v25;
	v25 =	vmul.f32 v61, v27;
	v21 =	vmov v14;
	v14 =	vpop (erf)  }
0x106: {  	v18 =	vmov v23;
	v0 =	vmul.f32 v46, v0;
	v3 =	vmul.f32 v46, v3;
	v23 =	vpop (erf)  }
0x107: {  	v2 =	vadd.f32 v2, v6;
	v27 =	vpop (erf)  }
0x108: {  	s24 =	sadd.s32 $0x10, s24;
	v35 =	vadd.f32 v0, v35;
	v0 =	vadd.f32 $1.000000000e+00, v27  }
0x109: {  	v2 =	vadd.f32 v2, v7;
	v5 =	vmul.f32 v46, v5;
	[tilespmem:s24+$0x0] =	vst v25;
	v25 =	vmov v22;
	v22 =	vpop (erf)  }
0x10a: {  	v31 =	vadd.f32 v3, v31;
	v3 =	vmov v9;
	v46 =	vpop (erf);
	(erf) = vrcp.f32 v0;
	v0 =	vld [tilespmem:$0x1FF20]  }
0x10b: {  	[tilespmem:$0x1FF20] =	vst v3;
	v3 =	vld [tilespmem:$0x1FF10]  }
0x10c: {  	v2 =	vadd.f32 v2, v11;
	_ =	sdelay $0x1  }
0x10d: {  	v2 =	vadd.f32 v2, v1;
	_ =	sdelay $0x1  }
0x10e: {  	v33 =	vadd.f32 v57, v33;
	v2 =	vadd.f32 v2, v16;
	v57 =	vmul.f32 v46, v3;
	v3 =	vld [tilespmem:$0x1FF30]  }
0x10f: {  	v0 =	vmul.f32 v46, v0  }
0x110: {  	v2 =	vadd.f32 v2, v17  }
0x111: {  	v24 =	vadd.f32 v0, v24;
	v0 =	vld [tilespmem:$0x1FF80]  }
0x112: {  	v2 =	vadd.f32 v2, v19  }
0x113: {  	v44 =	vadd.f32 v55, v44;
	v55 =	vmul.f32 v46, v3;
	v3 =	vmov v10  }
0x114: {  	[tilespmem:$0x1FF30] =	vst v3;
	v3 =	vld [tilespmem:$0x1FF40]  }
0x115: {  	v42 =	vadd.f32 v51, v42;
	s25 =	sadd.s32 $0x80, s25  }
0x116: {  	s29 =	sand.u32 $0x70, s26;
	s30 =	sand.u32 $0xC00, s25;
	v34 =	vadd.f32 v5, v34;
	v5 =	vadd.f32 v2, v20;
	v2 =	vmovc v1;
	v51 =	vmul.f32 v46, v0;
	v0 =	vld [tilespmem:$0x1FF90]  }
0x117: {  	s29 =	sor.u32 s29, s30;
	[tilespmem:$0x1FF90] =	vst v2;
	v2 =	vld [tilespmem:$0x1FFA0]  }
0x118: {  	v45 =	vld [tilespmem:s29+$0x0]  }
0x119: {  	v41 =	vadd.f32 v49, v41;
	v49 =	vmul.f32 v46, v3;
	v3 =	vld [tilespmem:$0x1FF60]  }
0x11a: {  	v47 =	vld [tilespmem:s29+$0x80];
	_ =	sdelay $0x1  }
0x11b: {  	v37 =	vadd.f32 v52, v37;
	v56 =	vld [tilespmem:s29+$0x100];
	v52 =	vmul.f32 v46, v2;
	v2 =	vmov v16  }
0x11c: {  	[tilespmem:$0x1FFA0] =	vst v2;
	v2 =	vld [tilespmem:$0x1FFB0]  }
0x11d: {  	v43 =	vadd.f32 v50, v43;
	v40 =	vadd.f32 v48, v40;
	v50 =	vmul.f32 v46, v3;
	v3 =	vmovc v11  }
0x11e: {  	vm0 =	vgt.f32 v47, v45;
	vm1 =	vgt.f32 v47, $-3.000000010e+38;
	v48 =	vmul.f32 v46, v0;
	v0 =	vmovc v7;
	[tilespmem:$0x1FF80] =	vst v3;
	v3 =	vld [tilespmem:$0x1FFC0]  }
0x11f: {  	vm2 =	vmneg vm0;
	v1 =	vnsel vm1, $0xFF61B1E6, v47;
	[tilespmem:$0x1FF60] =	vst v0;
	v0 =	vadd.f32 v5, v12  }
0x120: {  	v38 =	vadd.f32 v54, v38;
	v36 =	vadd.f32 v53, v36;
	v58 =	vld [tilespmem:s29+$0x180];
	v1 =	vsel vm2, v1, v45  }
0x121: {  	vm3 =	vgt.f32 v56, v1;
	v0 =	vadd.f32 v0, v13;
	v54 =	vmul.f32 v46, v2;
	v2 =	vmovc v17  }
0x122: {  	vm1 =	vmand vm2, vm1;
	v1 =	vsel vm3, v56, v1;
	[tilespmem:$0x1FFB0] =	vst v2;
	v2 =	vsel vm2, v45, v47  }
0x123: {  	v59 =	vld [tilespmem:s29+$0x200];
	v7 =	vadd.f32 v0, v14;
	vm15 =	vgt.f32 v56, v2;
	v53 =	vmul.f32 v46, v3;
	v3 =	vmovc v19  }
0x124: {  	s23 =	sadd.s32 $0x10, s23;
	v61 =	vpop (erf);
	v1 =	vsel vm15, v2, v1;
	v2 =	vsel vm15, v56, v2;
	[tilespmem:$0x1FFC0] =	vst v3;
	v3 =	vimm.s32 $0x0  }
0x125: {  	[tilespmem:s23+$0x0] =	vst v61;
	v0 =	vsel vm0, $0x1, v3;
	v3 =	vsel vm1, $0x1, v3;
	vm0 =	vgt.f32 v58, v1  }
0x126: {  	v60 =	vld [tilespmem:s29+$0x280];
	vm1 =	vgt.f32 v58, v2;
	v3 =	vsel vm3, $0x2, v3;
	v1 =	vsel vm0, v58, v1  }
0x127: {  	v30 =	vadd.f32 v4, v30;
	v3 =	vsel vm15, v0, v3;
	v1 =	vsel vm1, v2, v1  }
0x128: {  	v0 =	vsel vm15, $0x2, v0;
	v2 =	vsel vm1, v58, v2;
	vm2 =	vgt.f32 v59, v1  }
0x129: {  	v4 =	vmovc v6;
	v62 =	vld [tilespmem:s29+$0x300];
	v3 =	vsel vm0, $0x3, v3;
	vm0 =	vgt.f32 v59, v2;
	v1 =	vsel vm2, v59, v1  }
0x12a: {  	v32 =	vadd.f32 v15, v32;
	[tilespmem:$0x1FF40] =	vst v4;
	v4 =	vsel vm1, $0x3, v0;
	v5 =	vsel vm0, v2, v1  }
0x12b: {  	v6 =	vsel vm0, $0x4, v4;
	v2 =	vsel vm0, v59, v2;
	vm3 =	vgt.f32 v60, v5  }
0x12c: {  	v8 =	vmovc v8;
	v63 =	vld [tilespmem:s29+$0x380];
	v0 =	vsel vm1, v0, v3;
	vm1 =	vgt.f32 v60, v2;
	v3 =	vsel vm3, v60, v5  }
0x12d: {  	[tilespmem:$0x1FF10] =	vst v8;
	v0 =	vsel vm2, $0x4, v0;
	v8 =	vsel vm1, v60, v2;
	v2 =	vsel vm1, v2, v3  }
0x12e: {  	v1 =	vld [tilespmem:s29+$0x1000];
	vm8 =	vgt.f32 v62, v8;
	v3 =	vsel vm0, v4, v0;
	vm0 =	vgt.f32 v62, v2  }
0x12f: {  	v5 =	vsel vm1, $0x5, v6;
	v4 =	vsel vm8, v62, v8;
	v2 =	vsel vm0, v62, v2  }
0x130: {  	v0 =	vld [tilespmem:s29+$0x1080];
	v9 =	vsel vm8, $0x6, v5;
	v3 =	vsel vm3, $0x5, v3;
	v8 =	vsel vm8, v8, v2  }
0x131: {  	vm2 =	vgt.f32 v63, v4;
	v6 =	vsel vm1, v6, v3;
	vm3 =	vgt.f32 v63, v8  }
0x132: {  	v10 =	vsel vm2, v63, v4;
	v2 =	vld [tilespmem:s29+$0x1100];
	v11 =	vsel vm2, $0x7, v9;
	v8 =	vsel vm3, v63, v8  }
0x133: {  	v6 =	vsel vm0, $0x6, v6;
	vm9 =	vgt.f32 v1, v10;
	v8 =	vsel vm2, v4, v8  }
0x134: {  	v3 =	vld [tilespmem:s29+$0x1180];
	v5 =	vsel vm8, v5, v6;
	v16 =	vsel vm9, v1, v10;
	vm10 =	vgt.f32 v1, v8  }
0x135: {  	v15 =	vsel vm9, $0x8, v11;
	vm0 =	vgt.f32 v0, v16;
	v6 =	vsel vm10, v1, v8  }
0x136: {  	[tilespmem:$0x1FF70] =	vst v18;
	v17 =	vsel vm0, $0x9, v15;
	v18 =	vsel vm0, v0, v16;
	v6 =	vsel vm9, v10, v6  }
0x137: {  	v4 =	vld [tilespmem:s29+$0x1200];
	v8 =	vsel vm3, $0x7, v5;
	vm1 =	vgt.f32 v2, v18;
	vm6 =	vgt.f32 v0, v6  }
0x138: {  	v19 =	vsel vm1, v2, v18;
	v8 =	vsel vm2, v9, v8;
	v9 =	vsel vm6, v0, v6  }
0x139: {  	v5 =	vld [tilespmem:s29+$0x1280];
	v10 =	vsel vm1, $0xA, v17;
	vm2 =	vgt.f32 v3, v19;
	v9 =	vsel vm0, v16, v9  }
0x13a: {  	[tilespmem:$0x1FF00] =	vst v21;
	v8 =	vsel vm10, $0x8, v8;
	v21 =	vsel vm2, v3, v19;
	vm7 =	vgt.f32 v2, v9  }
0x13b: {  	v11 =	vsel vm9, v11, v8;
	v16 =	vsel vm2, $0xB, v10;
	v9 =	vsel vm7, v2, v9  }
0x13c: {  	v6 =	vld [tilespmem:s29+$0x1300];
	vm3 =	vgt.f32 v4, v21;
	v11 =	vsel vm6, $0x9, v11;
	v9 =	vsel vm1, v18, v9  }
0x13d: {  	[tilespmem:$0x1FFD0] =	vst v12;
	v12 =	vsel vm3, v4, v21;
	v11 =	vsel vm0, v15, v11;
	vm12 =	vgt.f32 v3, v9  }
0x13e: {  	v8 =	vld [tilespmem:s29+$0x1380];
	vm11 =	vgt.f32 v5, v12;
	v11 =	vsel vm7, $0xA, v11;
	v9 =	vsel vm12, v3, v9  }
0x13f: {  	[tilespmem:$0x1FFE0] =	vst v13;
	v18 =	vsel vm3, $0xC, v16;
	v13 =	vsel vm11, v5, v12;
	v15 =	vsel vm2, v19, v9  }
0x140: {  	[tilespmem:$0x1FFF0] =	vst v14;
	v11 =	vsel vm1, v17, v11;
	v14 =	vsel vm11, $0xD, v18;
	vm14 =	vgt.f32 v4, v15  }
0x141: {  	vm13 =	vgt.f32 v6, v13;
	v11 =	vsel vm12, $0xB, v11;
	v15 =	vsel vm14, v4, v15  }
0x142: {  	v19 =	vsel vm13, $0xE, v14;
	v9 =	vsel vm13, v6, v13;
	v15 =	vsel vm3, v21, v15  }
0x143: {  	v10 =	vsel vm2, v10, v11;
	vm0 =	vgt.f32 v8, v9;
	vm1 =	vgt.f32 v5, v15  }
0x144: {  	v17 =	vsel vm0, $0xF, v19;
	v10 =	vsel vm14, $0xC, v10;
	v15 =	vsel vm1, v5, v15  }
0x145: {  	s22 =	sadd.s32 $0x10, s22;
	v11 =	vshrl.u32 v17, $0x2;
	v10 =	vsel vm3, v16, v10;
	v12 =	vsel vm11, v12, v15  }
0x146: {  	[tilespmem:s22+$0x0] =	vst v17;
	v17 =	vshll.u32 v17, $0x3;
	v10 =	vsel vm1, $0xD, v10;
	vm1 =	vgt.f32 v6, v12  }
0x147: {  	vm2 =	veq.s32 v11, $0x0;
	v10 =	vsel vm11, v18, v10;
	v12 =	vsel vm1, v6, v12  }
0x148: {  	p0 =	sne.s32 s28, $0x1F0;
	vm3 =	veq.s32 v11, $0x1;
	v15 =	vsel vm1, $0xE, v10;
	v10 =	vsel vm13, v13, v12  }
.Ltmp0:
0x149: {  	v12 =	vand.u32 $0x18, v17;
	v13 =	vsel vm13, v14, v15;
	v14 =	vimm.s32 $0x1;
	(pc) =	sbr.rel @p0 .LBB2_2-.Ltmp0, $4  }
0x14a: {  	vm15 =	veq.s32 v11, $0x2;
	vm1 =	vgt.f32 v8, v10;
	v12 =	vshll.u32 v14, v12  }
0x14b: {  	v13 =	vsel vm1, $0xF, v13;
	v18 =	vnsel vm2, $0x0, v12;
	vm2 =	veq.s32 v11, $0x3  }
0x14c: {  	s21 =	sadd.s32 $0x10, s21;
	v16 =	vnsel vm3, $0x0, v12;
	v15 =	vnsel vm15, $0x0, v12;
	v11 =	vsel vm0, v19, v13  }
0x14d: {  	s26 =	smov.u32 s28;
	s28 =	sadd.s32 $0x10, s28;
	v17 =	vnsel vm2, $0x0, v12;
	[tilespmem:s21+$0x0] =	vst v11;
	v21 =	vshll.u32 v11, $0x3;
	v19 =	vshrl.u32 v11, $0x2  }
0x14e: {  	vm5 =	veq.s32 v19, $0x0;
	vm4 =	veq.s32 v19, $0x1  }
0x14f: {  	vm2 =	veq.s32 v19, $0x2;
	v11 =	vsel vm0, v8, v9;
	vm3 =	veq.s32 v19, $0x3  }
0x150: {  	v12 =	vand.u32 $0x18, v21;
	v41 =	vadd.f32 v49, v41;
	v13 =	vsub.f32 v45, v11  }
0x151: {  	v14 =	vadd.s32 v29, v18;
	v18 =	vsub.f32 v47, v11;
	v19 =	vsub.f32 v56, v11  }
0x152: {  	v29 =	vimm.s32 $0x1;
	v58 =	vsub.f32 v58, v11;
	v59 =	vsub.f32 v59, v11  }
0x153: {  	v16 =	vadd.s32 v28, v16;
	v60 =	vsub.f32 v60, v11;
	v21 =	vsub.f32 v62, v11  }
0x154: {  	v12 =	vshll.u32 v29, v12;
	v1 =	vsub.f32 v1, v11;
	v0 =	vsub.f32 v0, v11  }
0x155: {  	v2 =	vsub.f32 v2, v11;
	v4 =	vsub.f32 v4, v11;
	v13 =	vmul.f32 $1.442695020e+00, v13  }
0x156: {  	v56 =	vnsel vm5, $0x0, v12;
	v18 =	vmul.f32 $1.442695020e+00, v18;
	v19 =	vmul.f32 $1.442695020e+00, v19  }
0x157: {  	v47 =	vadd.s32 v56, v14;
	v14 =	vmul.f32 $1.442695020e+00, v58;
	v45 =	vmul.f32 $1.442695020e+00, v60  }
0x158: {  	v5 =	vsub.f32 v5, v11;
	v58 =	vmul.f32 $1.442695020e+00, v21;
	v1 =	vmul.f32 $1.442695020e+00, v1  }
0x159: {  	v6 =	vsub.f32 v6, v11;
	v0 =	vmul.f32 $1.442695020e+00, v0;
	v2 =	vmul.f32 $1.442695020e+00, v2  }
0x15a: {  	v62 =	vld [tilespmem:$0x1FF50];
	v28 =	vsub.f32 v8, v11;
	v4 =	vmul.f32 $1.442695020e+00, v4;
	(erf) = vpow2.f32 v13  }
0x15b: {  	v56 =	vsub.f32 v63, v11;
	v5 =	vmul.f32 $1.442695020e+00, v5;
	(erf) = vpow2.f32 v18  }
0x15c: {  	v60 =	vadd.s32 v26, v15;
	v13 =	vmul.f32 $1.442695020e+00, v59;
	(erf) = vpow2.f32 v19  }
0x15d: {  	v63 =	vsel vm1, v8, v10;
	v6 =	vmul.f32 $1.442695020e+00, v6;
	(erf) = vpow2.f32 v14  }
0x15e: {  	v15 =	vnsel vm4, $0x0, v12;
	v59 =	vmul.f32 $1.442695020e+00, v56;
	v18 =	vld [tilespmem:$0x1FED0];
	(erf) = vpow2.f32 v13  }
0x15f: {  	s25 =	sadd.s32 $0x80, s25;
	v14 =	vadd.s32 v62, v17;
	v17 =	vsub.f32 v3, v11;
	(erf) = vpow2.f32 v45  }
0x160: {  	s26 =	sand.u32 $0x70, s26;
	s25 =	sand.u32 $0xC00, s25;
	v56 =	vadd.s32 v15, v16;
	v16 =	vnsel vm2, $0x0, v12;
	(erf) = vpow2.f32 v58  }
0x161: {  	s25 =	sor.u32 s26, s25;
	v3 =	vnsel vm3, $0x0, v12;
	v19 =	vmul.f32 $1.442695020e+00, v17;
	(erf) = vpow2.f32 v59  }
0x162: {  	v58 =	vadd.s32 v16, v60;
	v60 =	vld [tilespmem:s25+$0x80];
	(erf) = vpow2.f32 v1;
	v1 =	vsel vm0, v9, v63  }
0x163: {  	v13 =	vadd.f32 v7, v23;
	v10 =	vmul.f32 v46, v18;
	v9 =	vld [tilespmem:s25+$0x0];
	(erf) = vpow2.f32 v0  }
0x164: {  	v62 =	vadd.f32 v51, v42;
	v16 =	vmul.f32 $1.442695020e+00, v28;
	(erf) = vpow2.f32 v2  }
0x165: {  	v17 =	vld [tilespmem:$0x1FEE0];
	v18 =	vadd.f32 v13, v22;
	v21 =	vsub.f32 v1, v11;
	v1 =	vpop (erf);
	(erf) = vpow2.f32 v19  }
0x166: {  	v59 =	vadd.s32 v3, v14;
	v14 =	vmul.f32 v46, v25;
	v26 =	vpop (erf);
	(erf) = vpow2.f32 v4  }
0x167: {  	v8 =	vadd.f32 v10, v39;
	v45 =	vmul.f32 $1.442695020e+00, v21;
	v2 =	vpop (erf);
	(erf) = vpow2.f32 v5  }
0x168: {  	v19 =	vld [tilespmem:$0x1FEF0];
	vm12 =	vgt.f32 v60, $-3.000000010e+38;
	vm0 =	vgt.f32 v60, v9;
	v28 =	vpop (erf);
	(erf) = vpow2.f32 v6  }
0x169: {  	v21 =	vld [tilespmem:$0x1FF00];
	v4 =	vpop (erf);
	(erf) = vpow2.f32 v45;
	v45 =	vadd.f32 v57, v33;
	v33 =	vadd.f32 v55, v44  }
0x16a: {  	v5 =	vmul.f32 v46, v17;
	vm13 =	vmneg vm0;
	v57 =	vld [tilespmem:s25+$0x100];
	v55 =	vmul.f32 v61, v27  }
0x16b: {  	v61 =	vnsel vm12, $0xFF61B1E6, v60;
	v27 =	vadd.f32 v50, v43;
	v63 =	vsel vm13, v9, v60;
	[tilespmem:$0x1FE60] =	vst v33  }
0x16c: {  	v15 =	vmovc v23;
	v44 =	vld [tilespmem:$0x1FF70];
	v5 =	vadd.f32 v5, v34;
	vm1 =	vmand vm13, vm12;
	(erf) = vpow2.f32 v16;
	[tilespmem:$0x1FEC0] =	vst v55  }
0x16d: {  	v12 =	vmul.f32 v46, v19;
	v23 =	vpop (erf);
	(erf) = vrcp.f32 v18;
	v18 =	vadd.f32 v48, v40;
	v19 =	vld [tilespmem:s25+$0x180]  }
0x16e: {  	v11 =	vmul.f32 v46, v21;
	v7 =	vsel vm13, v61, v9;
	v21 =	vadd.f32 v54, v38;
	[tilespmem:$0x1FE70] =	vst v62  }
0x16f: {  	v33 =	vadd.f32 v52, v37;
	v40 =	vimm.s32 $0x0;
	[tilespmem:$0x1FE80] =	vst v18;
	vm14 =	vgt.f32 v57, v7  }
0x170: {  	v38 =	vadd.f32 v12, v35;
	v43 =	vld [tilespmem:s25+$0x200];
	vm15 =	vgt.f32 v57, v63;
	v7 =	vsel vm14, v57, v7  }
0x171: {  	v42 =	vsel vm1, $0x1, v40;
	v13 =	vmul.f32 v46, v44;
	v25 =	vsel vm15, v63, v7  }
0x172: {  	[tilespmem:$0x1FE90] =	vst v21;
	v7 =	vadd.f32 v53, v36;
	v36 =	vsel vm15, v57, v63;
	vm9 =	vgt.f32 v19, v25  }
0x173: {  	v44 =	vsel vm0, $0x1, v40;
	v49 =	vld [tilespmem:s25+$0x280];
	vm6 =	vgt.f32 v19, v36;
	v37 =	vsel vm9, v19, v25  }
0x174: {  	v16 =	vsel vm14, $0x2, v42;
	v17 =	vsel vm15, $0x2, v44;
	v10 =	vsel vm6, v36, v37  }
0x175: {  	[tilespmem:$0x1FEA0] =	vst v38;
	v42 =	vadd.f32 v11, v32;
	v39 =	vsel vm6, v19, v36;
	vm10 =	vgt.f32 v43, v10  }
0x176: {  	v51 =	vld [tilespmem:s25+$0x300];
	v16 =	vsel vm15, v44, v16;
	vm11 =	vgt.f32 v43, v39;
	v10 =	vsel vm10, v43, v10  }
0x177: {  	v46 =	vsel vm6, $0x3, v17;
	v16 =	vsel vm9, $0x3, v16;
	v10 =	vsel vm11, v39, v10  }
0x178: {  	v25 =	vadd.f32 v13, v31;
	v12 =	vsel vm11, v43, v39;
	vm12 =	vgt.f32 v49, v10  }
0x179: {  	v52 =	vld [tilespmem:s25+$0x380];
	v16 =	vsel vm6, v17, v16;
	vm13 =	vgt.f32 v49, v12;
	v10 =	vsel vm12, v49, v10  }
0x17a: {  	v48 =	vsel vm11, $0x4, v46;
	v16 =	vsel vm10, $0x4, v16;
	v10 =	vsel vm13, v12, v10  }
0x17b: {  	v34 =	vpop (erf);
	v50 =	vsel vm13, $0x5, v48;
	v12 =	vsel vm13, v49, v12;
	vm14 =	vgt.f32 v51, v10  }
0x17c: {  	v35 =	vpop (erf);
	v54 =	vld [tilespmem:s25+$0x1000];
	v16 =	vsel vm11, v46, v16;
	vm15 =	vgt.f32 v51, v12;
	v10 =	vsel vm14, v51, v10  }
0x17d: {  	v36 =	vpop (erf);
	v46 =	vadd.f32 v14, v30;
	v16 =	vsel vm12, $0x5, v16;
	v10 =	vsel vm15, v12, v10  }
0x17e: {  	v32 =	vpop (erf);
	v16 =	vsel vm13, v48, v16;
	v12 =	vsel vm15, v51, v12;
	vm7 =	vgt.f32 v52, v10  }
0x17f: {  	v53 =	vld [tilespmem:s25+$0x1080];
	v37 =	vpop (erf);
	v16 =	vsel vm14, $0x6, v16;
	vm8 =	vgt.f32 v52, v12;
	v10 =	vsel vm7, v52, v10  }
0x180: {  	v38 =	vpop (erf);
	v55 =	vsel vm15, $0x6, v50;
	v16 =	vsel vm15, v50, v16;
	v61 =	vsel vm8, v12, v10  }
0x181: {  	v31 =	vpop (erf);
	v50 =	vld [tilespmem:$0x1FF20];
	v16 =	vsel vm7, $0x7, v16;
	v12 =	vsel vm8, v52, v12;
	vm9 =	vgt.f32 v54, v61  }
0x182: {  	v39 =	vpop (erf);
	v10 =	vld [tilespmem:s25+$0x1100];
	v16 =	vsel vm8, v55, v16;
	vm10 =	vgt.f32 v54, v12;
	v62 =	vsel vm9, v54, v61  }
0x183: {  	v40 =	vpop (erf);
	v63 =	vsel vm8, $0x7, v55;
	v55 =	vld [tilespmem:s25+$0x1180];
	v16 =	vsel vm9, $0x8, v16;
	v17 =	vsel vm10, v12, v62  }
0x184: {  	v21 =	vpop (erf);
	v61 =	vld [tilespmem:s25+$0x1200];
	v12 =	vsel vm10, v54, v12;
	v16 =	vsel vm10, v63, v16;
	vm11 =	vgt.f32 v53, v17  }
0x185: {  	v62 =	vld [tilespmem:s25+$0x1280];
	[tilespmem:$0x1FEB0] =	vst v21;
	v21 =	vadd.f32 $1.000000000e+00, v21;
	vm12 =	vgt.f32 v53, v12;
	v17 =	vsel vm11, v53, v17  }
0x186: {  	v3 =	vsel vm10, $0x8, v63;
	v16 =	vsel vm11, $0x9, v16;
	v0 =	vsel vm12, v12, v17  }
0x187: {  	(erf) = vrcp.f32 v21;
	v12 =	vsel vm12, v53, v12;
	vm13 =	vgt.f32 v10, v0  }
0x188: {  	v30 =	vpop (erf);
	v6 =	vsel vm12, v3, v16;
	vm14 =	vgt.f32 v10, v12;
	v11 =	vsel vm13, v10, v0  }
0x189: {  	v48 =	vpop (erf);
	v17 =	vsel vm12, $0x9, v3;
	v13 =	vsel vm13, $0xA, v6;
	v11 =	vsel vm14, v12, v11  }
0x18a: {  	v6 =	vmul.f32 v48, v50;
	v12 =	vsel vm14, v10, v12;
	vm15 =	vgt.f32 v55, v11  }
0x18b: {  	v44 =	vsel vm14, $0xA, v17;
	vm6 =	vgt.f32 v55, v12;
	v11 =	vsel vm15, v55, v11  }
0x18c: {  	v13 =	vsel vm14, v17, v13;
	v50 =	vadd.f32 v6, v24;
	v11 =	vsel vm6, v12, v11  }
0x18d: {  	v13 =	vsel vm15, $0xB, v13;
	v12 =	vsel vm6, v55, v12;
	vm7 =	vgt.f32 v61, v11  }
0x18e: {  	v63 =	vld [tilespmem:s25+$0x1300];
	v13 =	vsel vm6, v44, v13;
	vm8 =	vgt.f32 v61, v12;
	v11 =	vsel vm7, v61, v11  }
0x18f: {  	v14 =	vsel vm6, $0xB, v44;
	v13 =	vsel vm7, $0xC, v13;
	v11 =	vsel vm8, v12, v11  }
0x190: {  	v12 =	vsel vm8, v61, v12;
	v13 =	vsel vm8, v14, v13;
	vm9 =	vgt.f32 v62, v11  }
0x191: {  	v0 =	vld [tilespmem:s25+$0x1380];
	v14 =	vsel vm8, $0xC, v14;
	vm10 =	vgt.f32 v62, v12;
	v11 =	vsel vm9, v62, v11  }
0x192: {  	v13 =	vsel vm9, $0xD, v13;
	v11 =	vsel vm10, v12, v11;
	v12 =	vsel vm10, v62, v12  }
0x193: {  	v13 =	vsel vm10, v14, v13;
	v14 =	vsel vm10, $0xD, v14;
	vm11 =	vgt.f32 v63, v11  }
0x194: {  	vm12 =	vgt.f32 v63, v12;
	v11 =	vsel vm11, v63, v11;
	v13 =	vsel vm11, $0xE, v13  }
0x195: {  	v11 =	vsel vm12, v12, v11;
	v12 =	vsel vm12, v63, v12;
	v13 =	vsel vm12, v14, v13  }
0x196: {  	v14 =	vsel vm12, $0xE, v14;
	vm0 =	vgt.f32 v0, v12;
	vm13 =	vgt.f32 v0, v11  }
0x197: {  	v13 =	vsel vm13, $0xF, v13;
	v18 =	vsel vm0, $0xF, v14;
	v21 =	vsel vm0, v0, v12  }
0x198: {  	v44 =	vsel vm0, v14, v13;
	v24 =	vshrl.u32 v18, $0x2;
	v9 =	vsub.f32 v9, v21  }
0x199: {  	v3 =	vshll.u32 v18, $0x3;
	v6 =	vsub.f32 v60, v21;
	v57 =	vsub.f32 v57, v21  }
0x19a: {  	vm8 =	veq.s32 v24, $0x0;
	vm14 =	veq.s32 v24, $0x1;
	vm7 =	veq.s32 v24, $0x2  }
0x19b: {  	vm15 =	veq.s32 v24, $0x3;
	v14 =	vshrl.u32 v44, $0x2;
	v13 =	vand.u32 $0x18, v3  }
0x19c: {  	v17 =	vshll.u32 v44, $0x3;
	vm9 =	veq.s32 v14, $0x0;
	vm10 =	veq.s32 v14, $0x1  }
0x19d: {  	vm11 =	veq.s32 v14, $0x2;
	v13 =	vshll.u32 v29, v13;
	v3 =	vand.u32 $0x18, v17  }
0x19e: {  	v9 =	vmul.f32 $1.442695020e+00, v9;
	v60 =	vshll.u32 v29, v3;
	v29 =	vadd.f32 v26, v1  }
0x19f: {  	vm12 =	veq.s32 v14, $0x3;
	v14 =	vmul.f32 $1.442695020e+00, v6;
	v16 =	vnsel vm8, $0x0, v13  }
0x1a0: {  	v3 =	vsub.f32 v19, v21;
	(erf) = vpow2.f32 v9;
	v19 =	vadd.f32 v29, v2  }
0x1a1: {  	v24 =	vadd.s32 v47, v16;
	v47 =	vmul.f32 $1.442695020e+00, v57;
	(erf) = vpow2.f32 v14  }
0x1a2: {  	v11 =	vsel vm13, v0, v11;
	v6 =	vnsel vm9, $0x0, v60;
	v19 =	vadd.f32 v19, v28  }
0x1a3: {  	v17 =	vmovc v26;
	v26 =	vnsel vm14, $0x0, v13;
	v14 =	vmul.f32 $1.442695020e+00, v3;
	(erf) = vpow2.f32 v47  }
0x1a4: {  	v9 =	vadd.s32 v6, v24;
	v6 =	vsub.f32 v43, v21;
	v19 =	vadd.f32 v19, v4  }
0x1a5: {  	v57 =	vsub.f32 v49, v21;
	v29 =	vnsel vm7, $0x0, v13;
	(erf) = vpow2.f32 v14  }
0x1a6: {  	v43 =	vadd.s32 v56, v26;
	v13 =	vnsel vm15, $0x0, v13;
	v24 =	vmul.f32 $1.442695020e+00, v6  }
0x1a7: {  	v56 =	vadd.s32 v58, v29;
	v58 =	vsub.f32 v51, v21;
	v13 =	vadd.s32 v59, v13  }
0x1a8: {  	v14 =	vmul.f32 $1.442695020e+00, v57;
	(erf) = vpow2.f32 v24;
	v59 =	vadd.f32 v19, v23;
	v19 =	vpop (erf)  }
0x1a9: {  	v26 =	vsub.f32 v52, v21;
	v29 =	vsub.f32 v54, v21;
	v6 =	vmul.f32 $1.442695020e+00, v58;
	v47 =	vpop (erf)  }
0x1aa: {  	v3 =	vmov v28;
	(erf) = vpow2.f32 v14;
	v28 =	vadd.f32 v59, v34;
	v49 =	vpop (erf)  }
0x1ab: {  	v16 =	vmovc v23;
	v23 =	vnsel vm10, $0x0, v60;
	(erf) = vpow2.f32 v6;
	v6 =	vadd.f32 v49, v47  }
0x1ac: {  	v14 =	vmul.f32 $1.442695020e+00, v26;
	v43 =	vadd.s32 v23, v43;
	v23 =	vadd.f32 v28, v35;
	v51 =	vpop (erf)  }
0x1ad: {  	v52 =	vmul.f32 $1.442695020e+00, v29;
	v26 =	vsub.f32 v53, v21;
	v28 =	vadd.f32 v6, v51  }
0x1ae: {  	(erf) = vpow2.f32 v14;
	v29 =	vadd.f32 v23, v36;
	v6 =	vsub.f32 v10, v21;
	v10 =	vpop (erf)  }
0x1af: {  	v11 =	vsel vm0, v12, v11;
	v59 =	vnsel vm11, $0x0, v60;
	v53 =	vadd.f32 v28, v10  }
0x1b0: {  	v14 =	vmul.f32 $1.442695020e+00, v26;
	(erf) = vpow2.f32 v52;
	v26 =	vadd.f32 v29, v32  }
0x1b1: {  	v11 =	vsub.f32 v11, v21;
	v24 =	vadd.s32 v59, v56;
	v23 =	vnsel vm12, $0x0, v60;
	v52 =	vpop (erf)  }
0x1b2: {  	v13 =	vadd.s32 v23, v13;
	v60 =	vadd.f32 v26, v37;
	v29 =	vadd.f32 v53, v52  }
0x1b3: {  	v54 =	vmul.f32 $1.442695020e+00, v6;
	v28 =	vsub.f32 v55, v21;
	v6 =	vsub.f32 v61, v21;
	v53 =	vpop (erf)  }
0x1b4: {  	(erf) = vpow2.f32 v14;
	v23 =	vadd.f32 v60, v38;
	v55 =	vadd.f32 v29, v53  }
0x1b5: {  	(erf) = vpow2.f32 v54;
	v14 =	vmul.f32 $1.442695020e+00, v28;
	v28 =	vsub.f32 v62, v21;
	v56 =	vpop (erf)  }
0x1b6: {  	v11 =	vmul.f32 $1.442695020e+00, v11;
	v12 =	vadd.f32 v23, v31;
	v55 =	vadd.f32 v55, v56  }
0x1b7: {  	v26 =	vmul.f32 $1.442695020e+00, v6;
	(erf) = vpow2.f32 v14;
	v29 =	vsub.f32 v63, v21;
	v57 =	vpop (erf)  }
0x1b8: {  	v59 =	vld [tilespmem:$0x1FF10];
	v14 =	vmul.f32 $1.442695020e+00, v28;
	v12 =	vadd.f32 v12, v39;
	v55 =	vadd.f32 v55, v57  }
0x1b9: {  	v0 =	vsub.f32 v0, v21;
	(erf) = vpow2.f32 v26;
	v58 =	vmul.f32 $1.442695020e+00, v29;
	v54 =	vpop (erf)  }
0x1ba: {  	v61 =	vld [tilespmem:$0x1FF30];
	(erf) = vpow2.f32 v14;
	v12 =	vadd.f32 v12, v40;
	v55 =	vadd.f32 v55, v54  }
0x1bb: {  	v0 =	vmul.f32 $1.442695020e+00, v0;
	v62 =	vld [tilespmem:$0x1FF40];
	(erf) = vpow2.f32 v58  }
0x1bc: {  	v28 =	vld [tilespmem:$0x1FE80];
	(erf) = vpow2.f32 v11;
	v12 =	vadd.f32 v12, v30  }
0x1bd: {  	v14 =	vmul.f32 v48, v59;
	v59 =	vld [tilespmem:$0x1FFA0];
	v21 =	vpop (erf);
	(erf) = vpow2.f32 v0  }
0x1be: {  	v60 =	vadd.f32 v55, v21;
	v55 =	vpop (erf);
	(erf) = vrcp.f32 v12;
	v12 =	vld [tilespmem:$0x1FF60]  }
0x1bf: {  	v63 =	vld [tilespmem:$0x1FE60]  }
0x1c0: {  	v58 =	vld [tilespmem:$0x1FF90]  }
0x1c1: {  	v23 =	vld [tilespmem:$0x1FF80];
	v14 =	vadd.f32 v14, v45  }
0x1c2: {  	v11 =	vmul.f32 v48, v61;
	v61 =	vld [tilespmem:$0x1FE70];
	v45 =	vadd.f32 v60, v55;
	v60 =	vmul.f32 v48, v59  }
0x1c3: {  	v0 =	vmul.f32 v48, v62;
	v62 =	vld [tilespmem:$0x1FFB0];
	v6 =	vmul.f32 v48, v12  }
0x1c4: {  	v33 =	vadd.f32 v60, v33;
	v60 =	vld [tilespmem:$0x1FE90]  }
0x1c5: {  	v29 =	vadd.f32 v6, v27;
	v6 =	vmul.f32 v48, v58;
	v58 =	vld [tilespmem:$0x1FFC0]  }
0x1c6: {  	v26 =	vmul.f32 v48, v23;
	v12 =	vpop (erf)  }
0x1c7: {  	vm5 =	vmmov $0x1f;
	v45 =	vadd.f32 v45, v12  }
0x1c8: {  	v11 =	vadd.f32 v11, v63;
	v26 =	vadd.f32 v26, v61;
	v61 =	vld [tilespmem:$0x1FFD0];
	v63 =	vmul.f32 v48, v62;
	v59 =	vpop (erf)  }
0x1c9: {  	vm4 =	vmmov $0xf;
	v20 =	vmul.f32 v48, v20;
	v62 =	vld [tilespmem:$0x1FFE0];
	v45 =	vadd.f32 v45, v59  }
0x1ca: {  	v27 =	vadd.f32 v6, v28;
	v28 =	vadd.f32 v63, v60;
	v63 =	vld [tilespmem:$0x1FFF0];
	v6 =	vmul.f32 v48, v58  }
0x1cb: {  	v22 =	vmul.f32 v48, v22;
	v8 =	vadd.f32 v20, v8;
	vm6 =	vmmov $0x3f;
	v58 =	vpop (erf)  }
0x1cc: {  	vm13 =	vmmov $0x1;
	v0 =	vadd.f32 v0, v41;
	v41 =	vadd.f32 v45, v58  }
0x1cd: {  	vm8 =	vmmov $0xff;
	vm14 =	vmmov $0x3;
	v45 =	vmul.f32 v48, v61;
	v61 =	vpop (erf)  }
0x1ce: {  	v60 =	vmul.f32 v48, v62;
	v7 =	vadd.f32 v6, v7;
	v20 =	vadd.f32 v41, v61;
	v6 =	vpop (erf)  }
0x1cf: {  	v62 =	vmul.f32 v48, v63;
	v23 =	vadd.f32 v45, v5;
	v45 =	vadd.f32 $1.000000000e+00, v6;
	v63 =	vpop (erf)  }
0x1d0: {  	vm9 =	vmmov $0x1ff;
	vm15 =	vmmov $0x7;
	v20 =	vadd.f32 v20, v63  }
0x1d1: {  	vm7 =	vmmov $0x7f;
	vm10 =	vmmov $0x3ff;
	(erf) = vrcp.f32 v45  }
0x1d2: {  	vm11 =	vmmov $0x7ff;
	v41 =	vmul.f32 v48, v15;
	v48 =	vpop (erf);
	(erf) = vrcp.f32 v20  }
0x1d3: {  	v15 =	vld [tilespmem:$0x1FEA0];
	v42 =	vadd.f32 v62, v42;
	v45 =	vmul.f32 v48, v1;
	v2 =	vmul.f32 v48, v2  }
0x1d4: {  	v62 =	vadd.f32 v22, v46;
	v3 =	vmul.f32 v48, v3;
	v4 =	vmul.f32 v48, v4  }
0x1d5: {  	v41 =	vadd.f32 v41, v25;
	v22 =	vmul.f32 v48, v34;
	v25 =	vmul.f32 v48, v35  }
0x1d6: {  	vm12 =	vmmov $0xfff;
	v34 =	vmul.f32 v48, v37;
	v35 =	vmul.f32 v48, v38  }
0x1d7: {  	v46 =	vshrl.u32 v9, $0x8;
	v37 =	vmul.f32 v48, v39;
	v38 =	vmul.f32 v48, v40  }
0x1d8: {  	v30 =	vmul.f32 v48, v30;
	v5 =	vadd.f32 v60, v15;
	v60 =	vmul.f32 v48, v17  }
0x1d9: {  	v17 =	vmul.f32 v48, v16;
	v15 =	vadd.f32 v45, v50;
	v2 =	vadd.f32 v2, v11  }
0x1da: {  	v3 =	vadd.f32 v3, v0;
	v4 =	vadd.f32 v4, v29;
	v29 =	vmul.f32 v48, v36;
	v0 =	vpop (erf)  }
0x1db: {  	v25 =	vadd.f32 v25, v33;
	v33 =	vmul.f32 v48, v32;
	v36 =	vmul.f32 v48, v31;
	v39 =	vpop (erf)  }
0x1dc: {  	v23 =	vadd.f32 v35, v23;
	v1 =	vadd.f32 v60, v14;
	v40 =	vmul.f32 v39, v47  }
0x1dd: {  	v45 =	vand.u32 $0xFF, v9;
	v14 =	vadd.f32 v22, v27;
	v22 =	vadd.f32 v29, v28  }
0x1de: {  	v29 =	vadd.f32 v38, v41;
	v41 =	vmul.f32 v39, v49;
	v15 =	vadd.f32 v40, v15  }
0x1df: {  	v35 =	vand.u32 $0xFF, v43;
	v27 =	vadd.f32 v37, v42;
	v28 =	vcvt.s32.f32 v45  }
0x1e0: {  	v42 =	vmul.f32 v39, v51;
	v47 =	vand.u32 $0xFF, v46;
	v1 =	vadd.f32 v41, v1;
	(xrf2) =	vadd.scan.msk.f32 $0xffff, v15  }
0x1e1: {  	v38 =	vcvt.s32.f32 v35;
	v49 =	vshrl.u32 v9, $0x10;
	v15 =	vcvt.s32.f32 v47;
	(xrf2) =	vadd.scan.msk.f32 $0xffff, v28  }
0x1e2: {  	v10 =	vmul.f32 v39, v10;
	v2 =	vadd.f32 v42, v2;
	v28 =	vand.u32 $0xFF, v49;
	(xrf2) =	vadd.scan.msk.f32 $0xffff, v1  }
0x1e3: {  	v8 =	vadd.f32 v34, v8;
	v50 =	vmul.f32 v39, v53;
	v53 =	vcvt.s32.f32 v28;
	(xrf2) =	vadd.scan.msk.f32 $0xffff, v15  }
0x1e4: {  	v48 =	vmul.f32 v39, v52;
	v51 =	vmul.f32 v39, v56;
	v3 =	vadd.f32 v10, v3;
	(xrf2) =	vadd.scan.msk.f32 $0xffff, v2  }
0x1e5: {  	v20 =	vadd.f32 v30, v62;
	v52 =	vmul.f32 v39, v57;
	v56 =	vmul.f32 v39, v54;
	(xrf2) =	vadd.scan.msk.f32 $0xffff, v53  }
0x1e6: {  	v21 =	vmul.f32 v39, v21;
	v57 =	vmul.f32 v39, v55;
	v9 =	vshrl.u32 v9, $0x18;
	(xrf2) =	vadd.scan.msk.f32 $0xffff, v3  }
0x1e7: {  	v11 =	vadd.f32 v17, v26;
	v12 =	vmul.f32 v39, v12;
	v9 =	vcvt.s32.f32 v9  }
0x1e8: {  	v59 =	vmul.f32 v39, v59;
	v60 =	vmul.f32 v39, v58;
	v4 =	vadd.f32 v48, v4  }
0x1e9: {  	v62 =	vmul.f32 v39, v61;
	v26 =	vmul.f32 v39, v63;
	v39 =	vshrl.u32 v43, $0x8;
	(xrf2) =	vadd.scan.msk.f32 $0xffff, v9  }
0x1ea: {  	v34 =	vadd.f32 v57, v8;
	v8 =	vand.u32 $0xFF, v39;
	v1 =	vadd.f32 v50, v11;
	(xrf2) =	vadd.scan.msk.f32 $0xffff, v4;
	v37, _, _ =	vpop (xrf2)  }
0x1eb: {  	v31 =	vshrl.u32 v13, $0x8;
	v45 =	vcvt.s32.f32 v8;
	v49 =	vshrl.u32 v43, $0x10;
	v41, _, _ =	vpop (xrf2);
	(xrf2) =	vadd.scan.msk.f32 $0xffff, v38  }
0x1ec: {  	v7 =	vadd.f32 v33, v7;
	v14 =	vadd.f32 v51, v14;
	v42, _, _ =	vpop (xrf2);
	(xrf2) =	vadd.scan.msk.f32 $0xffff, v1;
	v1 =	vand.u32 $0xFF, v49  }
0x1ed: {  	v5 =	vadd.f32 v36, v5;
	v35 =	vshrl.u32 v13, $0x10;
	v48, _, _ =	vpop (xrf2);
	(xrf2) =	vadd.scan.msk.f32 $0xffff, v45;
	v1 =	vcvt.s32.f32 v1  }
0x1ee: {  	v6 =	vmul.f32 v0, v6;
	v54 =	vshrl.u32 v43, $0x18;
	v10 =	vadd.f32 v52, v25;
	v50, _, _ =	vpop (xrf2);
	(xrf2) =	vadd.scan.msk.f32 $0xffff, v14  }
0x1ef: {  	v58 =	vand.u32 $0xFF, v24;
	v61 =	vshrl.u32 v24, $0x8;
	v55 =	vcvt.s32.f32 v54;
	v52, _, _ =	vpop (xrf2);
	(xrf2) =	vadd.scan.msk.f32 $0xffff, v1  }
0x1f0: {  	v40 =	vadd.f32 v60, v27;
	v60 =	vcvt.s32.f32 v58;
	v2 =	vadd.f32 v56, v22;
	v57, _, _ =	vpop (xrf2);
	(xrf2) =	vadd.scan.msk.f32 $0xffff, v10  }
0x1f1: {  	v33 =	vadd.f32 v21, v7;
	v15 =	vbroadcast v41, $0xF;
	v51 =	vbroadcast v48, $0xF;
	(xrf2) =	vadd.scan.msk.f32 $0xffff, v55  }
0x1f2: {  	v36 =	vadd.f32 v12, v23;
	v5 =	vadd.f32 v59, v5;
	v10 =	vand.u32 $0xFF, v61;
	(xrf2) =	vadd.scan.msk.f32 $0xffff, v2  }
0x1f3: {  	v11 =	vsel vm13, v15, v51;
	v15 =	vshrl.u32 v24, $0x10;
	v59, _, _ =	vpop (xrf2);
	v63 =	vcvt.s32.f32 v10;
	(xrf2) =	vadd.scan.msk.f32 $0xffff, v60  }
0x1f4: {  	v21 =	vadd.f32 v62, v29;
	v7 =	vand.u32 $0xFF, v35;
	v10 =	vand.u32 $0xFF, v15;
	v62, _, _ =	vpop (xrf2);
	(xrf2) =	vadd.scan.msk.f32 $0xffff, v33  }
0x1f5: {  	v39 =	vcvt.s32.f32 v7;
	v28 =	vand.u32 $0xFF, v13;
	v22 =	vcvt.s32.f32 v10;
	v16, _, _ =	vpop (xrf2);
	(xrf2) =	vadd.scan.msk.f32 $0xffff, v63  }
0x1f6: {  	v46 =	vbroadcast v37, $0xF;
	v47 =	vbroadcast v42, $0xF;
	v24 =	vshrl.u32 v24, $0x18;
	v17, _, _ =	vpop (xrf2);
	(xrf2) =	vadd.scan.msk.f32 $0xffff, v34  }
0x1f7: {  	v20 =	vadd.f32 v26, v20;
	v30 =	vcvt.s32.f32 v28;
	v26 =	vcvt.s32.f32 v24;
	v23, _, _ =	vpop (xrf2);
	(xrf2) =	vadd.scan.msk.f32 $0xffff, v22  }
0x1f8: {  	v45 =	vshrl.u32 v13, $0x18;
	v8 =	vsel vm13, v46, v47;
	v53 =	vbroadcast v52, $0xF;
	v27, _, _ =	vpop (xrf2);
	(xrf2) =	vadd.scan.msk.f32 $0xffff, v36  }
0x1f9: {  	v4 =	vbroadcast v50, $0xF;
	v47 =	vcvt.s32.f32 v45;
	vm13 =	vmmov $0x1fff;
	v29, _, _ =	vpop (xrf2);
	(xrf2) =	vadd.scan.msk.f32 $0xffff, v26  }
0x1fa: {  	v56 =	vsel vm14, v11, v53;
	v11 =	vbroadcast v57, $0xF;
	v33 =	vand.u32 $0xFF, v31;
	v32, _, _ =	vpop (xrf2);
	(xrf2) =	vadd.scan.msk.f32 $0xffff, v5  }
0x1fb: {  	v4 =	vsel vm14, v8, v4;
	v14 =	vbroadcast v59, $0xF;
	v5 =	vcvt.s32.f32 v33;
	v34, _, _ =	vpop (xrf2);
	(xrf2) =	vadd.scan.msk.f32 $0xffff, v30  }
0x1fc: {  	vm14 =	vmmov $0x3fff;
	v2 =	vbroadcast v62, $0xF;
	v3 =	vbroadcast v16, $0xF;
	(xrf2) =	vadd.scan.msk.f32 $0xffff, v40;
	v37, _, _ =	vpop (xrf2)  }
0x1fd: {  	v4 =	vsel vm15, v4, v11;
	v8 =	vsel vm15, v56, v14;
	v1 =	vbroadcast v17, $0xF;
	(xrf2) =	vadd.scan.msk.f32 $0xffff, v5;
	v38, _, _ =	vpop (xrf2)  }
0x1fe: {  	v2 =	vsel vm4, v4, v2;
	v25 =	vbroadcast v23, $0xF;
	v3 =	vsel vm4, v8, v3;
	(xrf2) =	vadd.scan.msk.f32 $0xffff, v21;
	v42, _, _ =	vpop (xrf2)  }
0x1ff: {  	v1 =	vsel vm5, v2, v1;
	v2 =	vbroadcast v27, $0xF;
	v4 =	vbroadcast v29, $0xF;
	(xrf2) =	vadd.scan.msk.f32 $0xffff, v39;
	v43, _, _ =	vpop (xrf2)  }
0x200: {  	v3 =	vsel vm5, v3, v25;
	v36 =	vbroadcast v32, $0xF;
	v40 =	vbroadcast v34, $0xF;
	v46, _, _ =	vpop (xrf2)  }
0x201: {  	v1 =	vsel vm6, v1, v2;
	v3 =	vsel vm6, v3, v4;
	v41 =	vbroadcast v37, $0xF;
	(xrf2) =	vadd.scan.msk.f32 $0xffff, v20;
	v49, _, _ =	vpop (xrf2)  }
0x202: {  	v55 =	vld [tilespmem:$0x1FEB0];
	v1 =	vsel vm7, v1, v36;
	v4 =	vbroadcast v38, $0xF;
	v2 =	vsel vm7, v3, v40;
	(xrf2) =	vadd.scan.msk.f32 $0xffff, v47;
	v50, _, _ =	vpop (xrf2)  }
0x203: {  	v1 =	vsel vm8, v1, v41;
	v48 =	vbroadcast v42, $0xF;
	v5 =	vbroadcast v43, $0xF;
	v51, _, _ =	vpop (xrf2)  }
0x204: {  	v2 =	vsel vm8, v2, v4;
	v3 =	vbroadcast v46, $0xF;
	v8 =	vbroadcast v49, $0xF;
	v52, _, _ =	vpop (xrf2)  }
0x205: {  	s23 =	sadd.s32 $0x10, s23;
	v1 =	vsel vm9, v1, v48;
	v2 =	vsel vm9, v2, v5;
	v53 =	vbroadcast v50, $0xF;
	v54, _, _ =	vpop (xrf2)  }
0x206: {  	s22 =	sadd.s32 $0x10, s22;
	v56 =	vld [tilespmem:$0x1FEC0];
	[tilespmem:s23+$0x0] =	vst v19;
	v1 =	vsel vm10, v1, v3;
	v2 =	vsel vm10, v2, v8;
	v4 =	vbroadcast v51, $0xF;
	v57, _, _ =	vpop (xrf2)  }
0x207: {  	s24 =	sadd.s32 $0x10, s24;
	s21 =	sadd.s32 $0x10, s21;
	[tilespmem:s22+$0x0] =	vst v18;
	v8 =	vmul.f32 v19, v55;
	v1 =	vsel vm11, v1, v53;
	v3 =	vbroadcast v52, $0xF;
	v58, _, _ =	vpop (xrf2)  }
0x208: {  	s30 =	sadd.s32 $0x10, s24;
	s31 =	sadd.s32 $0x10, s23;
	[tilespmem:s21+$0x0] =	vst v44;
	v7 =	vbroadcast v54, $0xF;
	v2 =	vsel vm11, v2, v4;
	v5 =	vbroadcast v57, $0xF;
	v59, _, _ =	vpop (xrf2)  }
0x209: {  	s21 =	sadd.s32 $0x10, s30;
	[tilespmem:s31+$0x0] =	vst v0;
	v1 =	vsel vm12, v1, v3;
	v4 =	vbroadcast v58, $0xF;
	v60, _, _ =	vpop (xrf2);
	v3 =	vbroadcast v59, $0xF  }
0x20a: {  	[tilespmem:s21+$0x0] =	vst v6;
	v2 =	vsel vm12, v2, v7;
	v1 =	vsel vm13, v1, v5;
	v5 =	vbroadcast v60, $0xF  }
0x20b: {  	vm15 =	vmmov $0x7fff;
	[tilespmem:s24+$0x0] =	vst v56;
	v61 =	vsel vm13, v2, v4;
	v62, _, _ =	vpop (xrf2);
	v1 =	vsel vm14, v1, v3  }
0x20c: {  	[tilespmem:s30+$0x0] =	vst v8;
	v63, _, _ =	vpop (xrf2);
	v0 =	vsel vm14, v61, v5;
	v1 =	vsel vm15, v1, v62  }
0x20d: {  	v0 =	vsel vm15, v0, v63;
	[tilespmem:$0x2800] =	vst v1  }
0x20e: {  	[tilespmem:$0x2880] =	vst v0  }
0x20f: {  	[hbm4b:s4+s13] =	stream.strided.scatter [tilespmem:s15], [sflag:$0x1], $0x200, s14, s13, $0x38;
	[tilespmem:$0x2900] =	vst v63  }
0x210: {  	_ =	swait.ge [sflag:s12], $0x200  }
0x211: {  	[sflag:s12] =	ssyncset.done $0x0  }
0x212: {  	[sflag:s12] =	ssyncadd.s32 $0xFFFFFE00  }
0x213: {  	[hbm4b:s5+s13] =	stream.strided.scatter [tilespmem:s16], [sflag:$0x1], $0x200, s14, s13, $0x38;
	[tilespmem:$0x2900] =	vst v63  }
0x214: {  	_ =	swait.ge [sflag:s12], $0x200  }
0x215: {  	[sflag:s12] =	ssyncset.done $0x0  }
0x216: {  	[sflag:s12] =	ssyncadd.s32 $0xFFFFFE00  }
0x217: {  	[hbm4b:s6+s13] =	stream.strided.scatter [tilespmem:s17], [sflag:$0x1], $0x200, s14, s13, $0x38;
	[tilespmem:$0x2900] =	vst v63  }
0x218: {  	_ =	swait.ge [sflag:s12], $0x200  }
0x219: {  	[sflag:s12] =	ssyncset.done $0x0  }
0x21a: {  	[sflag:s12] =	ssyncadd.s32 $0xFFFFFE00  }
0x21b: {  	[hbm4b:s7+s13] =	stream.strided.scatter [tilespmem:s18], [sflag:$0x1], $0x200, s14, s13, $0x38;
	[tilespmem:$0x2900] =	vst v63  }
0x21c: {  	s20 =	sadd.s32 $0x1, s20;
	_ =	swait.ge [sflag:s12], $0x200  }
0x21d: {  	p0 =	sne.s32 s20, s9;
	[sflag:s12] =	ssyncset.done $0x0  }
.Ltmp1:
0x21e: {  	[sflag:s12] =	ssyncadd.s32 $0xFFFFFE00;
	(pc) =	sbr.rel @p0 .LBB2_1-.Ltmp1, $4  }
0x21f: {  	[hbm4b:s8+s2] =	stream.linear.scatter [tilespmem:s19], [sflag:$0x1], $0x100, $0x38;
	[tilespmem:$0x2900] =	vst v63  }
0x220: {  	_ =	swait.ge [sflag:s12], $0x100  }
0x221: {  	[sflag:s12] =	ssyncset.done $0x0  }
0x222: {  	[sflag:s12] =	ssyncadd.s32 $0xFFFFFF00  }
0x223: {  	_ =	sfence.sel $0x180000  }
0x224: {  	[bflag:$0x0] =	sbarrier.arrive $0xFFFF  }
0x225: {  	p0 =	sne.s32 s0, $0x0;
	_ =	strace $0x90000047  }
0x226: {  	s0 =	sadd.s32 @!p0 $0x100000, s1;
	[bflag:$0x2] =	sbarrier.arrive $0xFFFF  }
0x227: {  	[sflag:s0] =	ssyncadd.tile.s32 @!p0 $0x1;
	_ =	shalt  }
.Lfunc_end2:
_tile_overlayer_lowered:
.L_overlay_start_2:
0x228: {  	(tag) =	ssettag $0x2  }
0x229: {  	s0 =	rddreg [dreg:$0x0];
	s2 =	stileid.u32  }
0x22a: {  	s1 =	rddreg [dreg:$0x1];
	p0 =	sne.s32 s2, $0x0  }
0x22b: {  	s3 =	rddreg [dreg:$0x2];
	[bflag:$0x3] =	sbarrier.arrive $0xFFFF;
	s2 =	simm.s32 @!p0 $0x1C01  }
0x22c: {  	[timem:s3], [sflag:s2] =	dma.local @!p0 [hbm:s0], s1  }
0x22d: {  	s0 =	simm.s32 @!p0 $0x1  }
0x22e: {  	_ =	swait.ge @!p0 [sflag:s0], s1  }
0x22f: {  	s1 =	ssub.s32 @!p0 $0x0, s1;
	[sflag:s0] =	ssyncset.done @!p0 $0x0  }
0x230: {  	[sflag:s0] =	ssyncadd.s32 @!p0 s1  }
0x231: {  	[bflag:$0x3] =	sbarrier.arrive $0xFFFF  }
0x232: {  	_ =	shalt  }

</sc_bundles>
